<compile_context>
chip_gen: v7x
topology: tpu7x:2x2x1
jax: 0.10.2.dev20260603
libtpu: 0.0.44.dev20260713+nightly
codegen_flags: <defaults>
</compile_context>

<pallas_src>
import functools

import jax
import jax.numpy as jnp
from jax import lax
from jax.experimental import pallas as pl
from jax.experimental.pallas import tpu as pltpu
from jax.experimental.pallas import tpu_sc as plsc

N = 10000
E_MESH = 320000
E_WORLD = 160000
D = 128
H = 128

NC = 2
NS = 16
L = 16
ACC_ROWS = 10240
ROWS_PER_TILE = ACC_ROWS // NS
CNT_ROWS = ACC_ROWS // D
CHUNK = 128

MESH_PER_TILE = E_MESH // NS
WORLD_PER_TILE = E_WORLD // NS


def _sc_scatter(mesh_attr, mesh_dst, world_attr, world_dst, zeros_init):
    mesh = plsc.VectorSubcoreMesh(
        core_axis_name="c", subcore_axis_name="s", num_cores=NC, num_subcores=NS
    )

    @functools.partial(
        pl.kernel,
        out_type=(
            jax.ShapeDtypeStruct((ACC_ROWS, D), jnp.float32),
            jax.ShapeDtypeStruct((CNT_ROWS, D), jnp.float32),
            jax.ShapeDtypeStruct((ACC_ROWS, D), jnp.float32),
            jax.ShapeDtypeStruct((CNT_ROWS, D), jnp.float32),
        ),
        mesh=mesh,
        compiler_params=pltpu.CompilerParams(needs_layout_passes=False),
        scratch_types=[
            pltpu.VMEM_SHARED((ACC_ROWS, D), jnp.float32),
            pltpu.VMEM_SHARED((CNT_ROWS, D), jnp.float32),
            pltpu.VMEM((CHUNK, D), jnp.float32),
            pltpu.VMEM((CHUNK,), jnp.int32),
            pltpu.VMEM((32,), jnp.int32),
            pltpu.VMEM((16,), jnp.int32),
            pltpu.VMEM((CNT_ROWS, D), jnp.float32),
            pltpu.VMEM((CNT_ROWS,), jnp.int32),
        ],
    )
    def k(mesh_attr_h, mesh_dst_h, world_attr_h, world_dst_h, zeros_h,
          mesh_out, mesh_cnt_out, world_out, world_cnt_out,
          acc_sh, cnt_sh, buf, idx, idx_r32, idx_r16, cnt_local, idx80):
        c = lax.axis_index("c")
        s = lax.axis_index("s")
        row0 = s * ROWS_PER_TILE

        pltpu.sync_copy(zeros_h, acc_sh.at[pl.ds(row0, ROWS_PER_TILE)])
        pltpu.sync_copy(zeros_h.at[pl.ds(0, CNT_ROWS)], cnt_local)

        @pl.when(s == 0)
        def _():
            pltpu.sync_copy(zeros_h.at[pl.ds(0, CNT_ROWS)], cnt_sh)

        for j in range(CNT_ROWS // L):
            idx80[pl.ds(j * L, L)] = lax.iota(jnp.int32, L) + (j * L)
        plsc.subcore_barrier()

        ones = jnp.full((L,), 1.0, jnp.float32)

        def count_chunk(idx_ref, n):
            for j in range(n // L):
                iv = idx_ref[pl.ds(j * L, L)]
                cnts, last = plsc.scan_count(iv)
                plsc.addupdate_scatter(
                    cnt_local,
                    [iv >> 7, iv & 127],
                    cnts.astype(jnp.float32),
                    mask=last,
                )

        def edge_loop(attr_h, dst_h, per_tile, idx_rem):
            base = s * per_tile
            n_full = per_tile // CHUNK
            rem = per_tile % CHUNK

            def body(i, carry):
                off = base + i * CHUNK
                pltpu.sync_copy(attr_h.at[pl.ds(off, CHUNK)], buf)
                pltpu.sync_copy(dst_h.at[pl.ds(off, CHUNK)], idx)
                pltpu.sync_copy(buf, acc_sh.at[idx], add=True)
                count_chunk(idx, CHUNK)
                return carry

            lax.fori_loop(0, n_full, body, 0)
            if rem:
                off = base + n_full * CHUNK
                pltpu.sync_copy(attr_h.at[pl.ds(off, rem)],
                                buf.at[pl.ds(0, rem)])
                pltpu.sync_copy(dst_h.at[pl.ds(off, rem)], idx_rem)
                pltpu.sync_copy(buf.at[pl.ds(0, rem)], acc_sh.at[idx_rem],
                                add=True)
                count_chunk(idx_rem, rem)

        @pl.when(c == 0)
        def _():
            edge_loop(mesh_attr_h, mesh_dst_h, MESH_PER_TILE, idx_r32)

        @pl.when(c == 1)
        def _():
            edge_loop(world_attr_h, world_dst_h, WORLD_PER_TILE, idx_r16)

        pltpu.sync_copy(cnt_local, cnt_sh.at[idx80], add=True)
        plsc.subcore_barrier()

        @pl.when(c == 0)
        def _():
            pltpu.sync_copy(acc_sh.at[pl.ds(row0, ROWS_PER_TILE)],
                            mesh_out.at[pl.ds(row0, ROWS_PER_TILE)])

            @pl.when(s == 0)
            def _():
                pltpu.sync_copy(cnt_sh, mesh_cnt_out)

        @pl.when(c == 1)
        def _():
            pltpu.sync_copy(acc_sh.at[pl.ds(row0, ROWS_PER_TILE)],
                            world_out.at[pl.ds(row0, ROWS_PER_TILE)])

            @pl.when(s == 0)
            def _():
                pltpu.sync_copy(cnt_sh, world_cnt_out)

    return k(mesh_attr, mesh_dst, world_attr, world_dst, zeros_init)


def _tc_body(x_ref, am_ref, ac_ref, aw_ref, wc_ref, w1_ref, b1_ref, w2_ref,
             b2_ref, g_ref, be_ref, o_ref):
    xv = x_ref[...]
    am = am_ref[...] * (1.0 / jnp.maximum(ac_ref[...], 1.0))
    aw = aw_ref[...] * (1.0 / jnp.maximum(wc_ref[...], 1.0))
    w1 = w1_ref[...]
    hp = jax.lax.Precision.HIGHEST
    h1 = (jnp.dot(xv, w1[0:D], precision=hp)
          + jnp.dot(am, w1[D:2 * D], precision=hp)
          + jnp.dot(aw, w1[2 * D:3 * D], precision=hp)
          + b1_ref[...])
    h1 = jnp.maximum(h1, 0.0)
    h2 = jnp.dot(h1, w2_ref[...], precision=hp) + b2_ref[...]
    mu = jnp.mean(h2, axis=1, keepdims=True)
    dlt = h2 - mu
    var = jnp.mean(dlt * dlt, axis=1, keepdims=True)
    o_ref[...] = xv + dlt * jax.lax.rsqrt(var + 1e-5) * g_ref[...] + be_ref[...]


def _tc_mlp(x, mesh_acc, mesh_cnt, world_acc, world_cnt, W1, b1, W2, b2, g, b):
    BR = 512
    grid = (ACC_ROWS // BR,)
    full = lambda shape: pl.BlockSpec(shape, lambda i: (0, 0))
    return pl.pallas_call(
        _tc_body,
        grid=grid,
        in_specs=[
            pl.BlockSpec((BR, D), lambda i: (i, 0)),
            pl.BlockSpec((BR, D), lambda i: (i, 0)),
            pl.BlockSpec((BR, 1), lambda i: (i, 0)),
            pl.BlockSpec((BR, D), lambda i: (i, 0)),
            pl.BlockSpec((BR, 1), lambda i: (i, 0)),
            full((3 * D, H)),
            full((1, H)),
            full((H, D)),
            full((1, D)),
            full((1, D)),
            full((1, D)),
        ],
        out_specs=pl.BlockSpec((BR, D), lambda i: (i, 0)),
        out_shape=jax.ShapeDtypeStruct((N, D), jnp.float32),
    )(x, mesh_acc, mesh_cnt, world_acc, world_cnt, W1, b1, W2, b2, g, b)


def kernel(x, mesh_edge_attr, mesh_edge_index, world_edge_attr,
           world_edge_index, W1, b1, W2, b2, ln_gamma, ln_beta):
    mesh_dst = mesh_edge_index[1].astype(jnp.int32)
    world_dst = world_edge_index[1].astype(jnp.int32)
    zeros_init = jnp.zeros((ROWS_PER_TILE, D), jnp.float32)

    mesh_acc, mesh_cnt, world_acc, world_cnt = _sc_scatter(
        mesh_edge_attr, mesh_dst, world_edge_attr, world_dst, zeros_init)

    return _tc_mlp(
        x,
        mesh_acc, mesh_cnt.reshape(ACC_ROWS, 1),
        world_acc, world_cnt.reshape(ACC_ROWS, 1),
        W1, b1.reshape(1, H), W2, b2.reshape(1, D),
        ln_gamma.reshape(1, D), ln_beta.reshape(1, D))

# --- scband reference (transcript-rebuilt; emitter-appended) ---
"""Pipeline reference for scband-node-model-29137058136345 (READ-ONLY COPY).

The authoritative reference and input builder live on the scoring server;
editing this copy changes nothing except your own understanding.
"""

import jax, jax.numpy as jnp
import numpy as np

N = 10000
E_MESH = 320000
E_WORLD = 160000
D = 128
H = 128


def setup_inputs(seed: int = 0) -> dict:
    key = jax.random.key(seed)
    ks = jax.random.split(key, 12)
    x = jax.random.normal(ks[0], (N, D), dtype=jnp.float32)
    mesh_edge_attr = jax.random.normal(ks[1], (E_MESH, D), dtype=jnp.float32)
    mesh_edge_index = jax.random.randint(ks[2], (2, E_MESH), 0, N, dtype=jnp.int64)
    world_edge_attr = jax.random.normal(ks[3], (E_WORLD, D), dtype=jnp.float32)
    world_edge_index = jax.random.randint(ks[4], (2, E_WORLD), 0, N, dtype=jnp.int64)
    # node_mlp = make_mlp(output_size=128): Linear(3D->H) + ReLU + Linear(H->D) + LayerNorm(D)
    W1 = jax.random.normal(ks[5], (3 * D, H), dtype=jnp.float32) * (1.0 / np.sqrt(3 * D))
    b1 = jnp.zeros((H,), dtype=jnp.float32)
    W2 = jax.random.normal(ks[6], (H, D), dtype=jnp.float32) * (1.0 / np.sqrt(H))
    b2 = jnp.zeros((D,), dtype=jnp.float32)
    ln_gamma = jnp.ones((D,), dtype=jnp.float32)
    ln_beta = jnp.zeros((D,), dtype=jnp.float32)
    return {
        "x": x,
        "mesh_edge_attr": mesh_edge_attr,
        "mesh_edge_index": mesh_edge_index,
        "world_edge_attr": world_edge_attr,
        "world_edge_index": world_edge_index,
        "W1": W1, "b1": b1, "W2": W2, "b2": b2,
        "ln_gamma": ln_gamma, "ln_beta": ln_beta,
    }


def _scatter_mean(attr, dst, n):
    sums = jnp.zeros((n, attr.shape[1]), dtype=attr.dtype).at[dst].add(attr)
    cnt = jnp.zeros((n,), dtype=attr.dtype).at[dst].add(1.0)
    return sums / jnp.maximum(cnt, 1.0)[:, None]


def reference(x, mesh_edge_attr, mesh_edge_index, world_edge_attr, world_edge_index,
              W1, b1, W2, b2, ln_gamma, ln_beta):
    n = x.shape[0]
    agg_mesh = _scatter_mean(mesh_edge_attr, mesh_edge_index[1], n)
    agg_world = _scatter_mean(world_edge_attr, world_edge_index[1], n)
    h_in = jnp.concatenate([x, agg_mesh, agg_world], axis=-1)
    h1 = jax.nn.relu(h_in @ W1 + b1)
    h2 = h1 @ W2 + b2
    mu = jnp.mean(h2, axis=-1, keepdims=True)
    var = jnp.var(h2, axis=-1, keepdims=True)
    h2n = (h2 - mu) / jnp.sqrt(var + 1e-5) * ln_gamma + ln_beta
    return x + h2n

if __name__ == "__main__":
    import jax
    _d = setup_inputs()
    print(jax.jit(kernel)(*tuple(_d.values())))

</pallas_src>

<mosaic_0001>
#map = affine_map<(d0, d1) -> (0, 0)>
#map1 = affine_map<(d0, d1) -> (0)>
module attributes {stable_mosaic.version = 14 : i64} {
  func.func @k(%arg0: i32, %arg1: i32, %arg2: memref<320000x128xf32, #tpu.memory_space<hbm>>, %arg3: memref<320000xi32, #tpu.memory_space<hbm>>, %arg4: memref<160000x128xf32, #tpu.memory_space<hbm>>, %arg5: memref<160000xi32, #tpu.memory_space<hbm>>, %arg6: memref<640x128xf32, #tpu.memory_space<hbm>>, %arg7: memref<10240x128xf32, #tpu.memory_space<hbm>>, %arg8: memref<80x128xf32, #tpu.memory_space<hbm>>, %arg9: memref<10240x128xf32, #tpu.memory_space<hbm>>, %arg10: memref<80x128xf32, #tpu.memory_space<hbm>>, %arg11: memref<10240x128xf32, #tpu.memory_space<vmem_shared>>, %arg12: memref<80x128xf32, #tpu.memory_space<vmem_shared>>, %arg13: memref<128x128xf32, #tpu.memory_space<vmem>>, %arg14: memref<128xi32, #tpu.memory_space<vmem>>, %arg15: memref<32xi32, #tpu.memory_space<vmem>>, %arg16: memref<16xi32, #tpu.memory_space<vmem>>, %arg17: memref<80x128xf32, #tpu.memory_space<vmem>>, %arg18: memref<80xi32, #tpu.memory_space<vmem>>) attributes {dimension_semantics = [#tpu.dimension_semantics<core_parallel>, #tpu.dimension_semantics<subcore_parallel>], iteration_bounds = array<i64: 2, 16>, scalar_prefetch = 0 : i64, scratch_operands = 8 : i64, tpu.core_type = #tpu.core_type<sc_vector_subcore>, window_params = [{transform_indices = #map}, {transform_indices = #map1}, {transform_indices = #map}, {transform_indices = #map1}, {transform_indices = #map}, {transform_indices = #map}, {transform_indices = #map}, {transform_indices = #map}, {transform_indices = #map}]} {
    %mul3A = arith.constant 640 : i32
    %mul3A_0 = arith.muli %arg1, %mul3A : i32
    "tpu.region"() ({
      %run_scoped3A = tpu.sem_alloc : memref<!tpu.dma_semaphore, #tpu.memory_space<semaphore_mem>>
      %dma_start3A = arith.constant 0 : i32
      %dma_start3A_52 = tpu.memref_slice %arg11[%mul3A_0, %dma_start3A] : memref<10240x128xf32, #tpu.memory_space<vmem_shared>> -> memref<640x128xf32, #tpu.memory_space<vmem_shared>>
      tpu.enqueue_dma source(%arg6 : memref<640x128xf32, #tpu.memory_space<hbm>>) target(%dma_start3A_52 : memref<640x128xf32, #tpu.memory_space<vmem_shared>>) target_semaphore(%run_scoped3A : memref<!tpu.dma_semaphore, #tpu.memory_space<semaphore_mem>>)
      %dma_wait3A = arith.constant 0 : i32
      %dma_wait3A_53 = tpu.memref_slice %arg11[%mul3A_0, %dma_wait3A] : memref<10240x128xf32, #tpu.memory_space<vmem_shared>> -> memref<640x128xf32, #tpu.memory_space<vmem_shared>>
      tpu.wait_dma2 semaphore(%run_scoped3A : memref<!tpu.dma_semaphore, #tpu.memory_space<semaphore_mem>>) src(%arg6 : memref<640x128xf32, #tpu.memory_space<hbm>>) dst(%dma_wait3A_53 : memref<640x128xf32, #tpu.memory_space<vmem_shared>>)
      tpu.yield
    }) : () -> ()
    "tpu.region"() ({
      %run_scoped3A = tpu.sem_alloc : memref<!tpu.dma_semaphore, #tpu.memory_space<semaphore_mem>>
      %dma_start3A = arith.constant 0 : i32
      %dma_start3A_52 = arith.constant 0 : i32
      %dma_start3A_53 = tpu.memref_slice %arg6[%dma_start3A, %dma_start3A_52] : memref<640x128xf32, #tpu.memory_space<hbm>> -> memref<80x128xf32, #tpu.memory_space<hbm>>
      %dma_start3A_54 = arith.constant 0 : i32
      %dma_start3A_55 = arith.constant 0 : i32
      %dma_start3A_56 = tpu.memref_slice %arg6[%dma_start3A_54, %dma_start3A_55] : memref<640x128xf32, #tpu.memory_space<hbm>> -> memref<80x128xf32, #tpu.memory_space<hbm>>
      tpu.enqueue_dma source(%dma_start3A_56 : memref<80x128xf32, #tpu.memory_space<hbm>>) target(%arg17 : memref<80x128xf32, #tpu.memory_space<vmem>>) target_semaphore(%run_scoped3A : memref<!tpu.dma_semaphore, #tpu.memory_space<semaphore_mem>>)
      %dma_wait3A = arith.constant 0 : i32
      %dma_wait3A_57 = arith.constant 0 : i32
      %dma_wait3A_58 = tpu.memref_slice %arg6[%dma_wait3A, %dma_wait3A_57] : memref<640x128xf32, #tpu.memory_space<hbm>> -> memref<80x128xf32, #tpu.memory_space<hbm>>
      %dma_wait3A_59 = arith.constant 0 : i32
      %dma_wait3A_60 = arith.constant 0 : i32
      %dma_wait3A_61 = tpu.memref_slice %arg6[%dma_wait3A_59, %dma_wait3A_60] : memref<640x128xf32, #tpu.memory_space<hbm>> -> memref<80x128xf32, #tpu.memory_space<hbm>>
      tpu.wait_dma2 semaphore(%run_scoped3A : memref<!tpu.dma_semaphore, #tpu.memory_space<semaphore_mem>>) src(%dma_wait3A_61 : memref<80x128xf32, #tpu.memory_space<hbm>>) dst(%arg17 : memref<80x128xf32, #tpu.memory_space<vmem>>)
      tpu.yield
    }) : () -> ()
    %eq3A = arith.constant 0 : i32
    %eq3A_1 = arith.cmpi eq, %arg1, %eq3A : i32
    %convert_element_type3A = arith.extui %eq3A_1 : i1 to i32
    %cond3A = arith.constant 0 : i32
    %cond3A_2 = arith.cmpi ne, %convert_element_type3A, %cond3A : i32
    scf.if %cond3A_2 {
      "tpu.region"() ({
        %run_scoped3A = tpu.sem_alloc : memref<!tpu.dma_semaphore, #tpu.memory_space<semaphore_mem>>
        %dma_start3A = arith.constant 0 : i32
        %dma_start3A_52 = arith.constant 0 : i32
        %dma_start3A_53 = tpu.memref_slice %arg6[%dma_start3A, %dma_start3A_52] : memref<640x128xf32, #tpu.memory_space<hbm>> -> memref<80x128xf32, #tpu.memory_space<hbm>>
        tpu.enqueue_dma source(%dma_start3A_53 : memref<80x128xf32, #tpu.memory_space<hbm>>) target(%arg12 : memref<80x128xf32, #tpu.memory_space<vmem_shared>>) target_semaphore(%run_scoped3A : memref<!tpu.dma_semaphore, #tpu.memory_space<semaphore_mem>>)
        %dma_wait3A = arith.constant 0 : i32
        %dma_wait3A_54 = arith.constant 0 : i32
        %dma_wait3A_55 = tpu.memref_slice %arg6[%dma_wait3A, %dma_wait3A_54] : memref<640x128xf32, #tpu.memory_space<hbm>> -> memref<80x128xf32, #tpu.memory_space<hbm>>
        tpu.wait_dma2 semaphore(%run_scoped3A : memref<!tpu.dma_semaphore, #tpu.memory_space<semaphore_mem>>) src(%dma_wait3A_55 : memref<80x128xf32, #tpu.memory_space<hbm>>) dst(%arg12 : memref<80x128xf32, #tpu.memory_space<vmem_shared>>)
        tpu.yield
      }) : () -> ()
    } else {
    }
    %iota3A = tpu.iota {dimensions = array<i32: 0>} : vector<16xi32>
    %add3A = arith.constant 0 : i32
    %add3A_3 = vector.broadcast %add3A : i32 to vector<16xi32>
    %add3A_4 = arith.addi %iota3A, %add3A_3 : vector<16xi32>
    %swap3A = arith.constant 0 : index
    %swap3A_5 = tpu.vector_load %arg18[%swap3A] {strides = array<i32>} : memref<80xi32, #tpu.memory_space<vmem>>, vector<16xi32>,
    tpu.vector_store %arg18[%swap3A], %add3A_4 {strides = array<i32>} : memref<80xi32, #tpu.memory_space<vmem>>, vector<16xi32>,
    %iota3A_6 = tpu.iota {dimensions = array<i32: 0>} : vector<16xi32>
    %add3A_7 = arith.constant 16 : i32
    %add3A_8 = vector.broadcast %add3A_7 : i32 to vector<16xi32>
    %add3A_9 = arith.addi %iota3A_6, %add3A_8 : vector<16xi32>
    %swap3A_10 = arith.constant 16 : index
    %swap3A_11 = tpu.vector_load %arg18[%swap3A_10] {strides = array<i32>} : memref<80xi32, #tpu.memory_space<vmem>>, vector<16xi32>,
    tpu.vector_store %arg18[%swap3A_10], %add3A_9 {strides = array<i32>} : memref<80xi32, #tpu.memory_space<vmem>>, vector<16xi32>,
    %iota3A_12 = tpu.iota {dimensions = array<i32: 0>} : vector<16xi32>
    %add3A_13 = arith.constant 32 : i32
    %add3A_14 = vector.broadcast %add3A_13 : i32 to vector<16xi32>
    %add3A_15 = arith.addi %iota3A_12, %add3A_14 : vector<16xi32>
    %swap3A_16 = arith.constant 32 : index
    %swap3A_17 = tpu.vector_load %arg18[%swap3A_16] {strides = array<i32>} : memref<80xi32, #tpu.memory_space<vmem>>, vector<16xi32>,
    tpu.vector_store %arg18[%swap3A_16], %add3A_15 {strides = array<i32>} : memref<80xi32, #tpu.memory_space<vmem>>, vector<16xi32>,
    %iota3A_18 = tpu.iota {dimensions = array<i32: 0>} : vector<16xi32>
    %add3A_19 = arith.constant 48 : i32
    %add3A_20 = vector.broadcast %add3A_19 : i32 to vector<16xi32>
    %add3A_21 = arith.addi %iota3A_18, %add3A_20 : vector<16xi32>
    %swap3A_22 = arith.constant 48 : index
    %swap3A_23 = tpu.vector_load %arg18[%swap3A_22] {strides = array<i32>} : memref<80xi32, #tpu.memory_space<vmem>>, vector<16xi32>,
    tpu.vector_store %arg18[%swap3A_22], %add3A_21 {strides = array<i32>} : memref<80xi32, #tpu.memory_space<vmem>>, vector<16xi32>,
    %iota3A_24 = tpu.iota {dimensions = array<i32: 0>} : vector<16xi32>
    %add3A_25 = arith.constant 64 : i32
    %add3A_26 = vector.broadcast %add3A_25 : i32 to vector<16xi32>
    %add3A_27 = arith.addi %iota3A_24, %add3A_26 : vector<16xi32>
    %swap3A_28 = arith.constant 64 : index
    %swap3A_29 = tpu.vector_load %arg18[%swap3A_28] {strides = array<i32>} : memref<80xi32, #tpu.memory_space<vmem>>, vector<16xi32>,
    tpu.vector_store %arg18[%swap3A_28], %add3A_27 {strides = array<i32>} : memref<80xi32, #tpu.memory_space<vmem>>, vector<16xi32>,
    %barrier3A = arith.constant 0 : index
    tpu.barrier barrier_id(%barrier3A)
    %broadcast_in_dim3A = arith.constant 1.000000e+00 : f32
    %broadcast_in_dim3A_30 = vector.broadcast %broadcast_in_dim3A : f32 to vector<16xf32>
    %eq3A_31 = arith.constant 0 : i32
    %eq3A_32 = arith.cmpi eq, %arg0, %eq3A_31 : i32
    %convert_element_type3A_33 = arith.extui %eq3A_32 : i1 to i32
    %cond3A_34 = arith.constant 0 : i32
    %cond3A_35 = arith.cmpi ne, %convert_element_type3A_33, %cond3A_34 : i32
    scf.if %cond3A_35 {
      %mul3A_52 = arith.constant 20000 : i32
      %mul3A_53 = arith.muli %arg1, %mul3A_52 : i32
      %scan3A = arith.constant 0 : i32
      %scan3A_54 = arith.constant 0 : i32
      %scan3A_55 = arith.constant 156 : i32
      %scan3A_56 = arith.addi %scan3A_54, %scan3A_55 : i32
      %scan3A_57 = arith.constant 1 : i32
      scf.for %scan3A_83 = %scan3A_54 to %scan3A_56 step %scan3A_57  : i32 {
        %mul3A_84 = arith.constant 128 : i32
        %mul3A_85 = arith.muli %scan3A_83, %mul3A_84 : i32
        %add3A_86 = arith.addi %mul3A_53, %mul3A_85 : i32
        "tpu.region"() ({
          %run_scoped3A = tpu.sem_alloc : memref<!tpu.dma_semaphore, #tpu.memory_space<semaphore_mem>>
          %dma_start3A = arith.constant 0 : i32
          %dma_start3A_191 = tpu.memref_slice %arg2[%add3A_86, %dma_start3A] : memref<320000x128xf32, #tpu.memory_space<hbm>> -> memref<128x128xf32, #tpu.memory_space<hbm>>
          %dma_start3A_192 = arith.constant 0 : i32
          %dma_start3A_193 = tpu.memref_slice %arg2[%add3A_86, %dma_start3A_192] : memref<320000x128xf32, #tpu.memory_space<hbm>> -> memref<128x128xf32, #tpu.memory_space<hbm>>
          tpu.enqueue_dma source(%dma_start3A_193 : memref<128x128xf32, #tpu.memory_space<hbm>>) target(%arg13 : memref<128x128xf32, #tpu.memory_space<vmem>>) target_semaphore(%run_scoped3A : memref<!tpu.dma_semaphore, #tpu.memory_space<semaphore_mem>>)
          %dma_wait3A = arith.constant 0 : i32
          %dma_wait3A_194 = tpu.memref_slice %arg2[%add3A_86, %dma_wait3A] : memref<320000x128xf32, #tpu.memory_space<hbm>> -> memref<128x128xf32, #tpu.memory_space<hbm>>
          %dma_wait3A_195 = arith.constant 0 : i32
          %dma_wait3A_196 = tpu.memref_slice %arg2[%add3A_86, %dma_wait3A_195] : memref<320000x128xf32, #tpu.memory_space<hbm>> -> memref<128x128xf32, #tpu.memory_space<hbm>>
          tpu.wait_dma2 semaphore(%run_scoped3A : memref<!tpu.dma_semaphore, #tpu.memory_space<semaphore_mem>>) src(%dma_wait3A_196 : memref<128x128xf32, #tpu.memory_space<hbm>>) dst(%arg13 : memref<128x128xf32, #tpu.memory_space<vmem>>)
          tpu.yield
        }) : () -> ()
        "tpu.region"() ({
          %run_scoped3A = tpu.sem_alloc : memref<!tpu.dma_semaphore, #tpu.memory_space<semaphore_mem>>
          %dma_start3A = tpu.memref_slice %arg3[%add3A_86] : memref<320000xi32, #tpu.memory_space<hbm>> -> memref<128xi32, #tpu.memory_space<hbm>>
          %dma_start3A_191 = tpu.memref_slice %arg3[%add3A_86] : memref<320000xi32, #tpu.memory_space<hbm>> -> memref<128xi32, #tpu.memory_space<hbm>>
          tpu.enqueue_dma source(%dma_start3A_191 : memref<128xi32, #tpu.memory_space<hbm>>) target(%arg14 : memref<128xi32, #tpu.memory_space<vmem>>) target_semaphore(%run_scoped3A : memref<!tpu.dma_semaphore, #tpu.memory_space<semaphore_mem>>)
          %dma_wait3A = tpu.memref_slice %arg3[%add3A_86] : memref<320000xi32, #tpu.memory_space<hbm>> -> memref<128xi32, #tpu.memory_space<hbm>>
          %dma_wait3A_192 = tpu.memref_slice %arg3[%add3A_86] : memref<320000xi32, #tpu.memory_space<hbm>> -> memref<128xi32, #tpu.memory_space<hbm>>
          tpu.wait_dma2 semaphore(%run_scoped3A : memref<!tpu.dma_semaphore, #tpu.memory_space<semaphore_mem>>) src(%dma_wait3A_192 : memref<128xi32, #tpu.memory_space<hbm>>) dst(%arg14 : memref<128xi32, #tpu.memory_space<vmem>>)
          tpu.yield
        }) : () -> ()
        "tpu.region"() ({
          %run_scoped3A = tpu.sem_alloc : memref<!tpu.dma_semaphore, #tpu.memory_space<semaphore_mem>>
          %dma_start3A = arith.constant 0 : i32
          %dma_start3A_191 = arith.constant 0 : i32
          %dma_start3A_192 = tpu.memref_slice %arg11[%dma_start3A, %dma_start3A_191] : memref<10240x128xf32, #tpu.memory_space<vmem_shared>> -> memref<10240x128xf32, #tpu.memory_space<vmem_shared>>
          tpu.enqueue_indirect_dma source(%arg13 : memref<128x128xf32, #tpu.memory_space<vmem>>) target(%dma_start3A_192 : memref<10240x128xf32, #tpu.memory_space<vmem_shared>>) offsets(%arg14 : memref<128xi32, #tpu.memory_space<vmem>>) semaphore(%run_scoped3A : memref<!tpu.dma_semaphore, #tpu.memory_space<semaphore_mem>>) {add = true}
          %dma_wait3A = arith.constant 0 : i32
          %dma_wait3A_193 = arith.constant 0 : i32
          %dma_wait3A_194 = tpu.memref_slice %arg11[%dma_wait3A, %dma_wait3A_193] : memref<10240x128xf32, #tpu.memory_space<vmem_shared>> -> memref<10240x128xf32, #tpu.memory_space<vmem_shared>>
          tpu.wait_indirect_dma semaphore(%run_scoped3A : memref<!tpu.dma_semaphore, #tpu.memory_space<semaphore_mem>>) src(%arg13 : memref<128x128xf32, #tpu.memory_space<vmem>>) dst(%dma_wait3A_194 : memref<10240x128xf32, #tpu.memory_space<vmem_shared>>)
          tpu.yield
        }) : () -> ()
        %get3A_87 = arith.constant 0 : index
        %get3A_88 = tpu.vector_load %arg14[%get3A_87] {strides = array<i32>} : memref<128xi32, #tpu.memory_space<vmem>>, vector<16xi32>,
        %broadcast_in_dim3A_89 = arith.constant true
        %broadcast_in_dim3A_90 = vector.broadcast %broadcast_in_dim3A_89 : i1 to vector<16xi1>
        %unique3A_91, %unique3A_92 = tpu.scan_count mask(%broadcast_in_dim3A_90 : vector<16xi1>) value(%get3A_88 : vector<16xi32>) : vector<16xi1>, vector<16xi32>
        %shift_right_arithmetic3A_93 = arith.constant 7 : i32
        %shift_right_arithmetic3A_94 = vector.broadcast %shift_right_arithmetic3A_93 : i32 to vector<16xi32>
        %shift_right_arithmetic3A_95 = arith.shrsi %get3A_88, %shift_right_arithmetic3A_94 : vector<16xi32>
        %and3A_96 = arith.constant 127 : i32
        %and3A_97 = vector.broadcast %and3A_96 : i32 to vector<16xi32>
        %and3A_98 = arith.andi %get3A_88, %and3A_97 : vector<16xi32>
        %convert_element_type3A_99 = arith.sitofp %unique3A_92 : vector<16xi32> to vector<16xf32>
        tpu.vector_store_idx %arg17[%shift_right_arithmetic3A_95, %and3A_98], %convert_element_type3A_99 masked %unique3A_91 {add = true} : memref<80x128xf32, #tpu.memory_space<vmem>>[vector<16xi32>, vector<16xi32>], vector<16xf32>, vector<16xi1>
        %get3A_100 = arith.constant 16 : index
        %get3A_101 = tpu.vector_load %arg14[%get3A_100] {strides = array<i32>} : memref<128xi32, #tpu.memory_space<vmem>>, vector<16xi32>,
        %broadcast_in_dim3A_102 = arith.constant true
        %broadcast_in_dim3A_103 = vector.broadcast %broadcast_in_dim3A_102 : i1 to vector<16xi1>
        %unique3A_104, %unique3A_105 = tpu.scan_count mask(%broadcast_in_dim3A_103 : vector<16xi1>) value(%get3A_101 : vector<16xi32>) : vector<16xi1>, vector<16xi32>
        %shift_right_arithmetic3A_106 = arith.constant 7 : i32
        %shift_right_arithmetic3A_107 = vector.broadcast %shift_right_arithmetic3A_106 : i32 to vector<16xi32>
        %shift_right_arithmetic3A_108 = arith.shrsi %get3A_101, %shift_right_arithmetic3A_107 : vector<16xi32>
        %and3A_109 = arith.constant 127 : i32
        %and3A_110 = vector.broadcast %and3A_109 : i32 to vector<16xi32>
        %and3A_111 = arith.andi %get3A_101, %and3A_110 : vector<16xi32>
        %convert_element_type3A_112 = arith.sitofp %unique3A_105 : vector<16xi32> to vector<16xf32>
        tpu.vector_store_idx %arg17[%shift_right_arithmetic3A_108, %and3A_111], %convert_element_type3A_112 masked %unique3A_104 {add = true} : memref<80x128xf32, #tpu.memory_space<vmem>>[vector<16xi32>, vector<16xi32>], vector<16xf32>, vector<16xi1>
        %get3A_113 = arith.constant 32 : index
        %get3A_114 = tpu.vector_load %arg14[%get3A_113] {strides = array<i32>} : memref<128xi32, #tpu.memory_space<vmem>>, vector<16xi32>,
        %broadcast_in_dim3A_115 = arith.constant true
        %broadcast_in_dim3A_116 = vector.broadcast %broadcast_in_dim3A_115 : i1 to vector<16xi1>
        %unique3A_117, %unique3A_118 = tpu.scan_count mask(%broadcast_in_dim3A_116 : vector<16xi1>) value(%get3A_114 : vector<16xi32>) : vector<16xi1>, vector<16xi32>
        %shift_right_arithmetic3A_119 = arith.constant 7 : i32
        %shift_right_arithmetic3A_120 = vector.broadcast %shift_right_arithmetic3A_119 : i32 to vector<16xi32>
        %shift_right_arithmetic3A_121 = arith.shrsi %get3A_114, %shift_right_arithmetic3A_120 : vector<16xi32>
        %and3A_122 = arith.constant 127 : i32
        %and3A_123 = vector.broadcast %and3A_122 : i32 to vector<16xi32>
        %and3A_124 = arith.andi %get3A_114, %and3A_123 : vector<16xi32>
        %convert_element_type3A_125 = arith.sitofp %unique3A_118 : vector<16xi32> to vector<16xf32>
        tpu.vector_store_idx %arg17[%shift_right_arithmetic3A_121, %and3A_124], %convert_element_type3A_125 masked %unique3A_117 {add = true} : memref<80x128xf32, #tpu.memory_space<vmem>>[vector<16xi32>, vector<16xi32>], vector<16xf32>, vector<16xi1>
        %get3A_126 = arith.constant 48 : index
        %get3A_127 = tpu.vector_load %arg14[%get3A_126] {strides = array<i32>} : memref<128xi32, #tpu.memory_space<vmem>>, vector<16xi32>,
        %broadcast_in_dim3A_128 = arith.constant true
        %broadcast_in_dim3A_129 = vector.broadcast %broadcast_in_dim3A_128 : i1 to vector<16xi1>
        %unique3A_130, %unique3A_131 = tpu.scan_count mask(%broadcast_in_dim3A_129 : vector<16xi1>) value(%get3A_127 : vector<16xi32>) : vector<16xi1>, vector<16xi32>
        %shift_right_arithmetic3A_132 = arith.constant 7 : i32
        %shift_right_arithmetic3A_133 = vector.broadcast %shift_right_arithmetic3A_132 : i32 to vector<16xi32>
        %shift_right_arithmetic3A_134 = arith.shrsi %get3A_127, %shift_right_arithmetic3A_133 : vector<16xi32>
        %and3A_135 = arith.constant 127 : i32
        %and3A_136 = vector.broadcast %and3A_135 : i32 to vector<16xi32>
        %and3A_137 = arith.andi %get3A_127, %and3A_136 : vector<16xi32>
        %convert_element_type3A_138 = arith.sitofp %unique3A_131 : vector<16xi32> to vector<16xf32>
        tpu.vector_store_idx %arg17[%shift_right_arithmetic3A_134, %and3A_137], %convert_element_type3A_138 masked %unique3A_130 {add = true} : memref<80x128xf32, #tpu.memory_space<vmem>>[vector<16xi32>, vector<16xi32>], vector<16xf32>, vector<16xi1>
        %get3A_139 = arith.constant 64 : index
        %get3A_140 = tpu.vector_load %arg14[%get3A_139] {strides = array<i32>} : memref<128xi32, #tpu.memory_space<vmem>>, vector<16xi32>,
        %broadcast_in_dim3A_141 = arith.constant true
        %broadcast_in_dim3A_142 = vector.broadcast %broadcast_in_dim3A_141 : i1 to vector<16xi1>
        %unique3A_143, %unique3A_144 = tpu.scan_count mask(%broadcast_in_dim3A_142 : vector<16xi1>) value(%get3A_140 : vector<16xi32>) : vector<16xi1>, vector<16xi32>
        %shift_right_arithmetic3A_145 = arith.constant 7 : i32
        %shift_right_arithmetic3A_146 = vector.broadcast %shift_right_arithmetic3A_145 : i32 to vector<16xi32>
        %shift_right_arithmetic3A_147 = arith.shrsi %get3A_140, %shift_right_arithmetic3A_146 : vector<16xi32>
        %and3A_148 = arith.constant 127 : i32
        %and3A_149 = vector.broadcast %and3A_148 : i32 to vector<16xi32>
        %and3A_150 = arith.andi %get3A_140, %and3A_149 : vector<16xi32>
        %convert_element_type3A_151 = arith.sitofp %unique3A_144 : vector<16xi32> to vector<16xf32>
        tpu.vector_store_idx %arg17[%shift_right_arithmetic3A_147, %and3A_150], %convert_element_type3A_151 masked %unique3A_143 {add = true} : memref<80x128xf32, #tpu.memory_space<vmem>>[vector<16xi32>, vector<16xi32>], vector<16xf32>, vector<16xi1>
        %get3A_152 = arith.constant 80 : index
        %get3A_153 = tpu.vector_load %arg14[%get3A_152] {strides = array<i32>} : memref<128xi32, #tpu.memory_space<vmem>>, vector<16xi32>,
        %broadcast_in_dim3A_154 = arith.constant true
        %broadcast_in_dim3A_155 = vector.broadcast %broadcast_in_dim3A_154 : i1 to vector<16xi1>
        %unique3A_156, %unique3A_157 = tpu.scan_count mask(%broadcast_in_dim3A_155 : vector<16xi1>) value(%get3A_153 : vector<16xi32>) : vector<16xi1>, vector<16xi32>
        %shift_right_arithmetic3A_158 = arith.constant 7 : i32
        %shift_right_arithmetic3A_159 = vector.broadcast %shift_right_arithmetic3A_158 : i32 to vector<16xi32>
        %shift_right_arithmetic3A_160 = arith.shrsi %get3A_153, %shift_right_arithmetic3A_159 : vector<16xi32>
        %and3A_161 = arith.constant 127 : i32
        %and3A_162 = vector.broadcast %and3A_161 : i32 to vector<16xi32>
        %and3A_163 = arith.andi %get3A_153, %and3A_162 : vector<16xi32>
        %convert_element_type3A_164 = arith.sitofp %unique3A_157 : vector<16xi32> to vector<16xf32>
        tpu.vector_store_idx %arg17[%shift_right_arithmetic3A_160, %and3A_163], %convert_element_type3A_164 masked %unique3A_156 {add = true} : memref<80x128xf32, #tpu.memory_space<vmem>>[vector<16xi32>, vector<16xi32>], vector<16xf32>, vector<16xi1>
        %get3A_165 = arith.constant 96 : index
        %get3A_166 = tpu.vector_load %arg14[%get3A_165] {strides = array<i32>} : memref<128xi32, #tpu.memory_space<vmem>>, vector<16xi32>,
        %broadcast_in_dim3A_167 = arith.constant true
        %broadcast_in_dim3A_168 = vector.broadcast %broadcast_in_dim3A_167 : i1 to vector<16xi1>
        %unique3A_169, %unique3A_170 = tpu.scan_count mask(%broadcast_in_dim3A_168 : vector<16xi1>) value(%get3A_166 : vector<16xi32>) : vector<16xi1>, vector<16xi32>
        %shift_right_arithmetic3A_171 = arith.constant 7 : i32
        %shift_right_arithmetic3A_172 = vector.broadcast %shift_right_arithmetic3A_171 : i32 to vector<16xi32>
        %shift_right_arithmetic3A_173 = arith.shrsi %get3A_166, %shift_right_arithmetic3A_172 : vector<16xi32>
        %and3A_174 = arith.constant 127 : i32
        %and3A_175 = vector.broadcast %and3A_174 : i32 to vector<16xi32>
        %and3A_176 = arith.andi %get3A_166, %and3A_175 : vector<16xi32>
        %convert_element_type3A_177 = arith.sitofp %unique3A_170 : vector<16xi32> to vector<16xf32>
        tpu.vector_store_idx %arg17[%shift_right_arithmetic3A_173, %and3A_176], %convert_element_type3A_177 masked %unique3A_169 {add = true} : memref<80x128xf32, #tpu.memory_space<vmem>>[vector<16xi32>, vector<16xi32>], vector<16xf32>, vector<16xi1>
        %get3A_178 = arith.constant 112 : index
        %get3A_179 = tpu.vector_load %arg14[%get3A_178] {strides = array<i32>} : memref<128xi32, #tpu.memory_space<vmem>>, vector<16xi32>,
        %broadcast_in_dim3A_180 = arith.constant true
        %broadcast_in_dim3A_181 = vector.broadcast %broadcast_in_dim3A_180 : i1 to vector<16xi1>
        %unique3A_182, %unique3A_183 = tpu.scan_count mask(%broadcast_in_dim3A_181 : vector<16xi1>) value(%get3A_179 : vector<16xi32>) : vector<16xi1>, vector<16xi32>
        %shift_right_arithmetic3A_184 = arith.constant 7 : i32
        %shift_right_arithmetic3A_185 = vector.broadcast %shift_right_arithmetic3A_184 : i32 to vector<16xi32>
        %shift_right_arithmetic3A_186 = arith.shrsi %get3A_179, %shift_right_arithmetic3A_185 : vector<16xi32>
        %and3A_187 = arith.constant 127 : i32
        %and3A_188 = vector.broadcast %and3A_187 : i32 to vector<16xi32>
        %and3A_189 = arith.andi %get3A_179, %and3A_188 : vector<16xi32>
        %convert_element_type3A_190 = arith.sitofp %unique3A_183 : vector<16xi32> to vector<16xf32>
        tpu.vector_store_idx %arg17[%shift_right_arithmetic3A_186, %and3A_189], %convert_element_type3A_190 masked %unique3A_182 {add = true} : memref<80x128xf32, #tpu.memory_space<vmem>>[vector<16xi32>, vector<16xi32>], vector<16xf32>, vector<16xi1>
      }
      %scan3A_58 = arith.constant 156 : i32
      %add3A_59 = arith.constant 19968 : i32
      %add3A_60 = arith.addi %mul3A_53, %add3A_59 : i32
      "tpu.region"() ({
        %run_scoped3A = tpu.sem_alloc : memref<!tpu.dma_semaphore, #tpu.memory_space<semaphore_mem>>
        %dma_start3A = arith.constant 0 : i32
        %dma_start3A_83 = arith.constant 0 : i32
        %dma_start3A_84 = tpu.memref_slice %arg13[%dma_start3A, %dma_start3A_83] : memref<128x128xf32, #tpu.memory_space<vmem>> -> memref<32x128xf32, #tpu.memory_space<vmem>>
        %dma_start3A_85 = arith.constant 0 : i32
        %dma_start3A_86 = tpu.memref_slice %arg2[%add3A_60, %dma_start3A_85] : memref<320000x128xf32, #tpu.memory_space<hbm>> -> memref<32x128xf32, #tpu.memory_space<hbm>>
        %dma_start3A_87 = arith.constant 0 : i32
        %dma_start3A_88 = arith.constant 0 : i32
        %dma_start3A_89 = tpu.memref_slice %arg13[%dma_start3A_87, %dma_start3A_88] : memref<128x128xf32, #tpu.memory_space<vmem>> -> memref<32x128xf32, #tpu.memory_space<vmem>>
        %dma_start3A_90 = arith.constant 0 : i32
        %dma_start3A_91 = tpu.memref_slice %arg2[%add3A_60, %dma_start3A_90] : memref<320000x128xf32, #tpu.memory_space<hbm>> -> memref<32x128xf32, #tpu.memory_space<hbm>>
        tpu.enqueue_dma source(%dma_start3A_91 : memref<32x128xf32, #tpu.memory_space<hbm>>) target(%dma_start3A_89 : memref<32x128xf32, #tpu.memory_space<vmem>>) target_semaphore(%run_scoped3A : memref<!tpu.dma_semaphore, #tpu.memory_space<semaphore_mem>>)
        %dma_wait3A = arith.constant 0 : i32
        %dma_wait3A_92 = arith.constant 0 : i32
        %dma_wait3A_93 = tpu.memref_slice %arg13[%dma_wait3A, %dma_wait3A_92] : memref<128x128xf32, #tpu.memory_space<vmem>> -> memref<32x128xf32, #tpu.memory_space<vmem>>
        %dma_wait3A_94 = arith.constant 0 : i32
        %dma_wait3A_95 = tpu.memref_slice %arg2[%add3A_60, %dma_wait3A_94] : memref<320000x128xf32, #tpu.memory_space<hbm>> -> memref<32x128xf32, #tpu.memory_space<hbm>>
        %dma_wait3A_96 = arith.constant 0 : i32
        %dma_wait3A_97 = arith.constant 0 : i32
        %dma_wait3A_98 = tpu.memref_slice %arg13[%dma_wait3A_96, %dma_wait3A_97] : memref<128x128xf32, #tpu.memory_space<vmem>> -> memref<32x128xf32, #tpu.memory_space<vmem>>
        %dma_wait3A_99 = arith.constant 0 : i32
        %dma_wait3A_100 = tpu.memref_slice %arg2[%add3A_60, %dma_wait3A_99] : memref<320000x128xf32, #tpu.memory_space<hbm>> -> memref<32x128xf32, #tpu.memory_space<hbm>>
        tpu.wait_dma2 semaphore(%run_scoped3A : memref<!tpu.dma_semaphore, #tpu.memory_space<semaphore_mem>>) src(%dma_wait3A_100 : memref<32x128xf32, #tpu.memory_space<hbm>>) dst(%dma_wait3A_98 : memref<32x128xf32, #tpu.memory_space<vmem>>)
        tpu.yield
      }) : () -> ()
      "tpu.region"() ({
        %run_scoped3A = tpu.sem_alloc : memref<!tpu.dma_semaphore, #tpu.memory_space<semaphore_mem>>
        %dma_start3A = tpu.memref_slice %arg3[%add3A_60] : memref<320000xi32, #tpu.memory_space<hbm>> -> memref<32xi32, #tpu.memory_space<hbm>>
        %dma_start3A_83 = tpu.memref_slice %arg3[%add3A_60] : memref<320000xi32, #tpu.memory_space<hbm>> -> memref<32xi32, #tpu.memory_space<hbm>>
        tpu.enqueue_dma source(%dma_start3A_83 : memref<32xi32, #tpu.memory_space<hbm>>) target(%arg15 : memref<32xi32, #tpu.memory_space<vmem>>) target_semaphore(%run_scoped3A : memref<!tpu.dma_semaphore, #tpu.memory_space<semaphore_mem>>)
        %dma_wait3A = tpu.memref_slice %arg3[%add3A_60] : memref<320000xi32, #tpu.memory_space<hbm>> -> memref<32xi32, #tpu.memory_space<hbm>>
        %dma_wait3A_84 = tpu.memref_slice %arg3[%add3A_60] : memref<320000xi32, #tpu.memory_space<hbm>> -> memref<32xi32, #tpu.memory_space<hbm>>
        tpu.wait_dma2 semaphore(%run_scoped3A : memref<!tpu.dma_semaphore, #tpu.memory_space<semaphore_mem>>) src(%dma_wait3A_84 : memref<32xi32, #tpu.memory_space<hbm>>) dst(%arg15 : memref<32xi32, #tpu.memory_space<vmem>>)
        tpu.yield
      }) : () -> ()
      "tpu.region"() ({
        %run_scoped3A = tpu.sem_alloc : memref<!tpu.dma_semaphore, #tpu.memory_space<semaphore_mem>>
        %dma_start3A = arith.constant 0 : i32
        %dma_start3A_83 = arith.constant 0 : i32
        %dma_start3A_84 = tpu.memref_slice %arg13[%dma_start3A, %dma_start3A_83] : memref<128x128xf32, #tpu.memory_space<vmem>> -> memref<32x128xf32, #tpu.memory_space<vmem>>
        %dma_start3A_85 = arith.constant 0 : i32
        %dma_start3A_86 = arith.constant 0 : i32
        %dma_start3A_87 = tpu.memref_slice %arg11[%dma_start3A_85, %dma_start3A_86] : memref<10240x128xf32, #tpu.memory_space<vmem_shared>> -> memref<10240x128xf32, #tpu.memory_space<vmem_shared>>
        tpu.enqueue_indirect_dma source(%dma_start3A_84 : memref<32x128xf32, #tpu.memory_space<vmem>>) target(%dma_start3A_87 : memref<10240x128xf32, #tpu.memory_space<vmem_shared>>) offsets(%arg15 : memref<32xi32, #tpu.memory_space<vmem>>) semaphore(%run_scoped3A : memref<!tpu.dma_semaphore, #tpu.memory_space<semaphore_mem>>) {add = true}
        %dma_wait3A = arith.constant 0 : i32
        %dma_wait3A_88 = arith.constant 0 : i32
        %dma_wait3A_89 = tpu.memref_slice %arg13[%dma_wait3A, %dma_wait3A_88] : memref<128x128xf32, #tpu.memory_space<vmem>> -> memref<32x128xf32, #tpu.memory_space<vmem>>
        %dma_wait3A_90 = arith.constant 0 : i32
        %dma_wait3A_91 = arith.constant 0 : i32
        %dma_wait3A_92 = tpu.memref_slice %arg11[%dma_wait3A_90, %dma_wait3A_91] : memref<10240x128xf32, #tpu.memory_space<vmem_shared>> -> memref<10240x128xf32, #tpu.memory_space<vmem_shared>>
        tpu.wait_indirect_dma semaphore(%run_scoped3A : memref<!tpu.dma_semaphore, #tpu.memory_space<semaphore_mem>>) src(%dma_wait3A_89 : memref<32x128xf32, #tpu.memory_space<vmem>>) dst(%dma_wait3A_92 : memref<10240x128xf32, #tpu.memory_space<vmem_shared>>)
        tpu.yield
      }) : () -> ()
      %get3A = arith.constant 0 : index
      %get3A_61 = tpu.vector_load %arg15[%get3A] {strides = array<i32>} : memref<32xi32, #tpu.memory_space<vmem>>, vector<16xi32>,
      %broadcast_in_dim3A_62 = arith.constant true
      %broadcast_in_dim3A_63 = vector.broadcast %broadcast_in_dim3A_62 : i1 to vector<16xi1>
      %unique3A, %unique3A_64 = tpu.scan_count mask(%broadcast_in_dim3A_63 : vector<16xi1>) value(%get3A_61 : vector<16xi32>) : vector<16xi1>, vector<16xi32>
      %shift_right_arithmetic3A = arith.constant 7 : i32
      %shift_right_arithmetic3A_65 = vector.broadcast %shift_right_arithmetic3A : i32 to vector<16xi32>
      %shift_right_arithmetic3A_66 = arith.shrsi %get3A_61, %shift_right_arithmetic3A_65 : vector<16xi32>
      %and3A = arith.constant 127 : i32
      %and3A_67 = vector.broadcast %and3A : i32 to vector<16xi32>
      %and3A_68 = arith.andi %get3A_61, %and3A_67 : vector<16xi32>
      %convert_element_type3A_69 = arith.sitofp %unique3A_64 : vector<16xi32> to vector<16xf32>
      tpu.vector_store_idx %arg17[%shift_right_arithmetic3A_66, %and3A_68], %convert_element_type3A_69 masked %unique3A {add = true} : memref<80x128xf32, #tpu.memory_space<vmem>>[vector<16xi32>, vector<16xi32>], vector<16xf32>, vector<16xi1>
      %get3A_70 = arith.constant 16 : index
      %get3A_71 = tpu.vector_load %arg15[%get3A_70] {strides = array<i32>} : memref<32xi32, #tpu.memory_space<vmem>>, vector<16xi32>,
      %broadcast_in_dim3A_72 = arith.constant true
      %broadcast_in_dim3A_73 = vector.broadcast %broadcast_in_dim3A_72 : i1 to vector<16xi1>
      %unique3A_74, %unique3A_75 = tpu.scan_count mask(%broadcast_in_dim3A_73 : vector<16xi1>) value(%get3A_71 : vector<16xi32>) : vector<16xi1>, vector<16xi32>
      %shift_right_arithmetic3A_76 = arith.constant 7 : i32
      %shift_right_arithmetic3A_77 = vector.broadcast %shift_right_arithmetic3A_76 : i32 to vector<16xi32>
      %shift_right_arithmetic3A_78 = arith.shrsi %get3A_71, %shift_right_arithmetic3A_77 : vector<16xi32>
      %and3A_79 = arith.constant 127 : i32
      %and3A_80 = vector.broadcast %and3A_79 : i32 to vector<16xi32>
      %and3A_81 = arith.andi %get3A_71, %and3A_80 : vector<16xi32>
      %convert_element_type3A_82 = arith.sitofp %unique3A_75 : vector<16xi32> to vector<16xf32>
      tpu.vector_store_idx %arg17[%shift_right_arithmetic3A_78, %and3A_81], %convert_element_type3A_82 masked %unique3A_74 {add = true} : memref<80x128xf32, #tpu.memory_space<vmem>>[vector<16xi32>, vector<16xi32>], vector<16xf32>, vector<16xi1>
    } else {
    }
    %eq3A_36 = arith.constant 1 : i32
    %eq3A_37 = arith.cmpi eq, %arg0, %eq3A_36 : i32
    %convert_element_type3A_38 = arith.extui %eq3A_37 : i1 to i32
    %cond3A_39 = arith.constant 0 : i32
    %cond3A_40 = arith.cmpi ne, %convert_element_type3A_38, %cond3A_39 : i32
    scf.if %cond3A_40 {
      %mul3A_52 = arith.constant 10000 : i32
      %mul3A_53 = arith.muli %arg1, %mul3A_52 : i32
      %scan3A = arith.constant 0 : i32
      %scan3A_54 = arith.constant 0 : i32
      %scan3A_55 = arith.constant 78 : i32
      %scan3A_56 = arith.addi %scan3A_54, %scan3A_55 : i32
      %scan3A_57 = arith.constant 1 : i32
      scf.for %scan3A_70 = %scan3A_54 to %scan3A_56 step %scan3A_57  : i32 {
        %mul3A_71 = arith.constant 128 : i32
        %mul3A_72 = arith.muli %scan3A_70, %mul3A_71 : i32
        %add3A_73 = arith.addi %mul3A_53, %mul3A_72 : i32
        "tpu.region"() ({
          %run_scoped3A = tpu.sem_alloc : memref<!tpu.dma_semaphore, #tpu.memory_space<semaphore_mem>>
          %dma_start3A = arith.constant 0 : i32
          %dma_start3A_178 = tpu.memref_slice %arg4[%add3A_73, %dma_start3A] : memref<160000x128xf32, #tpu.memory_space<hbm>> -> memref<128x128xf32, #tpu.memory_space<hbm>>
          %dma_start3A_179 = arith.constant 0 : i32
          %dma_start3A_180 = tpu.memref_slice %arg4[%add3A_73, %dma_start3A_179] : memref<160000x128xf32, #tpu.memory_space<hbm>> -> memref<128x128xf32, #tpu.memory_space<hbm>>
          tpu.enqueue_dma source(%dma_start3A_180 : memref<128x128xf32, #tpu.memory_space<hbm>>) target(%arg13 : memref<128x128xf32, #tpu.memory_space<vmem>>) target_semaphore(%run_scoped3A : memref<!tpu.dma_semaphore, #tpu.memory_space<semaphore_mem>>)
          %dma_wait3A = arith.constant 0 : i32
          %dma_wait3A_181 = tpu.memref_slice %arg4[%add3A_73, %dma_wait3A] : memref<160000x128xf32, #tpu.memory_space<hbm>> -> memref<128x128xf32, #tpu.memory_space<hbm>>
          %dma_wait3A_182 = arith.constant 0 : i32
          %dma_wait3A_183 = tpu.memref_slice %arg4[%add3A_73, %dma_wait3A_182] : memref<160000x128xf32, #tpu.memory_space<hbm>> -> memref<128x128xf32, #tpu.memory_space<hbm>>
          tpu.wait_dma2 semaphore(%run_scoped3A : memref<!tpu.dma_semaphore, #tpu.memory_space<semaphore_mem>>) src(%dma_wait3A_183 : memref<128x128xf32, #tpu.memory_space<hbm>>) dst(%arg13 : memref<128x128xf32, #tpu.memory_space<vmem>>)
          tpu.yield
        }) : () -> ()
        "tpu.region"() ({
          %run_scoped3A = tpu.sem_alloc : memref<!tpu.dma_semaphore, #tpu.memory_space<semaphore_mem>>
          %dma_start3A = tpu.memref_slice %arg5[%add3A_73] : memref<160000xi32, #tpu.memory_space<hbm>> -> memref<128xi32, #tpu.memory_space<hbm>>
          %dma_start3A_178 = tpu.memref_slice %arg5[%add3A_73] : memref<160000xi32, #tpu.memory_space<hbm>> -> memref<128xi32, #tpu.memory_space<hbm>>
          tpu.enqueue_dma source(%dma_start3A_178 : memref<128xi32, #tpu.memory_space<hbm>>) target(%arg14 : memref<128xi32, #tpu.memory_space<vmem>>) target_semaphore(%run_scoped3A : memref<!tpu.dma_semaphore, #tpu.memory_space<semaphore_mem>>)
          %dma_wait3A = tpu.memref_slice %arg5[%add3A_73] : memref<160000xi32, #tpu.memory_space<hbm>> -> memref<128xi32, #tpu.memory_space<hbm>>
          %dma_wait3A_179 = tpu.memref_slice %arg5[%add3A_73] : memref<160000xi32, #tpu.memory_space<hbm>> -> memref<128xi32, #tpu.memory_space<hbm>>
          tpu.wait_dma2 semaphore(%run_scoped3A : memref<!tpu.dma_semaphore, #tpu.memory_space<semaphore_mem>>) src(%dma_wait3A_179 : memref<128xi32, #tpu.memory_space<hbm>>) dst(%arg14 : memref<128xi32, #tpu.memory_space<vmem>>)
          tpu.yield
        }) : () -> ()
        "tpu.region"() ({
          %run_scoped3A = tpu.sem_alloc : memref<!tpu.dma_semaphore, #tpu.memory_space<semaphore_mem>>
          %dma_start3A = arith.constant 0 : i32
          %dma_start3A_178 = arith.constant 0 : i32
          %dma_start3A_179 = tpu.memref_slice %arg11[%dma_start3A, %dma_start3A_178] : memref<10240x128xf32, #tpu.memory_space<vmem_shared>> -> memref<10240x128xf32, #tpu.memory_space<vmem_shared>>
          tpu.enqueue_indirect_dma source(%arg13 : memref<128x128xf32, #tpu.memory_space<vmem>>) target(%dma_start3A_179 : memref<10240x128xf32, #tpu.memory_space<vmem_shared>>) offsets(%arg14 : memref<128xi32, #tpu.memory_space<vmem>>) semaphore(%run_scoped3A : memref<!tpu.dma_semaphore, #tpu.memory_space<semaphore_mem>>) {add = true}
          %dma_wait3A = arith.constant 0 : i32
          %dma_wait3A_180 = arith.constant 0 : i32
          %dma_wait3A_181 = tpu.memref_slice %arg11[%dma_wait3A, %dma_wait3A_180] : memref<10240x128xf32, #tpu.memory_space<vmem_shared>> -> memref<10240x128xf32, #tpu.memory_space<vmem_shared>>
          tpu.wait_indirect_dma semaphore(%run_scoped3A : memref<!tpu.dma_semaphore, #tpu.memory_space<semaphore_mem>>) src(%arg13 : memref<128x128xf32, #tpu.memory_space<vmem>>) dst(%dma_wait3A_181 : memref<10240x128xf32, #tpu.memory_space<vmem_shared>>)
          tpu.yield
        }) : () -> ()
        %get3A_74 = arith.constant 0 : index
        %get3A_75 = tpu.vector_load %arg14[%get3A_74] {strides = array<i32>} : memref<128xi32, #tpu.memory_space<vmem>>, vector<16xi32>,
        %broadcast_in_dim3A_76 = arith.constant true
        %broadcast_in_dim3A_77 = vector.broadcast %broadcast_in_dim3A_76 : i1 to vector<16xi1>
        %unique3A_78, %unique3A_79 = tpu.scan_count mask(%broadcast_in_dim3A_77 : vector<16xi1>) value(%get3A_75 : vector<16xi32>) : vector<16xi1>, vector<16xi32>
        %shift_right_arithmetic3A_80 = arith.constant 7 : i32
        %shift_right_arithmetic3A_81 = vector.broadcast %shift_right_arithmetic3A_80 : i32 to vector<16xi32>
        %shift_right_arithmetic3A_82 = arith.shrsi %get3A_75, %shift_right_arithmetic3A_81 : vector<16xi32>
        %and3A_83 = arith.constant 127 : i32
        %and3A_84 = vector.broadcast %and3A_83 : i32 to vector<16xi32>
        %and3A_85 = arith.andi %get3A_75, %and3A_84 : vector<16xi32>
        %convert_element_type3A_86 = arith.sitofp %unique3A_79 : vector<16xi32> to vector<16xf32>
        tpu.vector_store_idx %arg17[%shift_right_arithmetic3A_82, %and3A_85], %convert_element_type3A_86 masked %unique3A_78 {add = true} : memref<80x128xf32, #tpu.memory_space<vmem>>[vector<16xi32>, vector<16xi32>], vector<16xf32>, vector<16xi1>
        %get3A_87 = arith.constant 16 : index
        %get3A_88 = tpu.vector_load %arg14[%get3A_87] {strides = array<i32>} : memref<128xi32, #tpu.memory_space<vmem>>, vector<16xi32>,
        %broadcast_in_dim3A_89 = arith.constant true
        %broadcast_in_dim3A_90 = vector.broadcast %broadcast_in_dim3A_89 : i1 to vector<16xi1>
        %unique3A_91, %unique3A_92 = tpu.scan_count mask(%broadcast_in_dim3A_90 : vector<16xi1>) value(%get3A_88 : vector<16xi32>) : vector<16xi1>, vector<16xi32>
        %shift_right_arithmetic3A_93 = arith.constant 7 : i32
        %shift_right_arithmetic3A_94 = vector.broadcast %shift_right_arithmetic3A_93 : i32 to vector<16xi32>
        %shift_right_arithmetic3A_95 = arith.shrsi %get3A_88, %shift_right_arithmetic3A_94 : vector<16xi32>
        %and3A_96 = arith.constant 127 : i32
        %and3A_97 = vector.broadcast %and3A_96 : i32 to vector<16xi32>
        %and3A_98 = arith.andi %get3A_88, %and3A_97 : vector<16xi32>
        %convert_element_type3A_99 = arith.sitofp %unique3A_92 : vector<16xi32> to vector<16xf32>
        tpu.vector_store_idx %arg17[%shift_right_arithmetic3A_95, %and3A_98], %convert_element_type3A_99 masked %unique3A_91 {add = true} : memref<80x128xf32, #tpu.memory_space<vmem>>[vector<16xi32>, vector<16xi32>], vector<16xf32>, vector<16xi1>
        %get3A_100 = arith.constant 32 : index
        %get3A_101 = tpu.vector_load %arg14[%get3A_100] {strides = array<i32>} : memref<128xi32, #tpu.memory_space<vmem>>, vector<16xi32>,
        %broadcast_in_dim3A_102 = arith.constant true
        %broadcast_in_dim3A_103 = vector.broadcast %broadcast_in_dim3A_102 : i1 to vector<16xi1>
        %unique3A_104, %unique3A_105 = tpu.scan_count mask(%broadcast_in_dim3A_103 : vector<16xi1>) value(%get3A_101 : vector<16xi32>) : vector<16xi1>, vector<16xi32>
        %shift_right_arithmetic3A_106 = arith.constant 7 : i32
        %shift_right_arithmetic3A_107 = vector.broadcast %shift_right_arithmetic3A_106 : i32 to vector<16xi32>
        %shift_right_arithmetic3A_108 = arith.shrsi %get3A_101, %shift_right_arithmetic3A_107 : vector<16xi32>
        %and3A_109 = arith.constant 127 : i32
        %and3A_110 = vector.broadcast %and3A_109 : i32 to vector<16xi32>
        %and3A_111 = arith.andi %get3A_101, %and3A_110 : vector<16xi32>
        %convert_element_type3A_112 = arith.sitofp %unique3A_105 : vector<16xi32> to vector<16xf32>
        tpu.vector_store_idx %arg17[%shift_right_arithmetic3A_108, %and3A_111], %convert_element_type3A_112 masked %unique3A_104 {add = true} : memref<80x128xf32, #tpu.memory_space<vmem>>[vector<16xi32>, vector<16xi32>], vector<16xf32>, vector<16xi1>
        %get3A_113 = arith.constant 48 : index
        %get3A_114 = tpu.vector_load %arg14[%get3A_113] {strides = array<i32>} : memref<128xi32, #tpu.memory_space<vmem>>, vector<16xi32>,
        %broadcast_in_dim3A_115 = arith.constant true
        %broadcast_in_dim3A_116 = vector.broadcast %broadcast_in_dim3A_115 : i1 to vector<16xi1>
        %unique3A_117, %unique3A_118 = tpu.scan_count mask(%broadcast_in_dim3A_116 : vector<16xi1>) value(%get3A_114 : vector<16xi32>) : vector<16xi1>, vector<16xi32>
        %shift_right_arithmetic3A_119 = arith.constant 7 : i32
        %shift_right_arithmetic3A_120 = vector.broadcast %shift_right_arithmetic3A_119 : i32 to vector<16xi32>
        %shift_right_arithmetic3A_121 = arith.shrsi %get3A_114, %shift_right_arithmetic3A_120 : vector<16xi32>
        %and3A_122 = arith.constant 127 : i32
        %and3A_123 = vector.broadcast %and3A_122 : i32 to vector<16xi32>
        %and3A_124 = arith.andi %get3A_114, %and3A_123 : vector<16xi32>
        %convert_element_type3A_125 = arith.sitofp %unique3A_118 : vector<16xi32> to vector<16xf32>
        tpu.vector_store_idx %arg17[%shift_right_arithmetic3A_121, %and3A_124], %convert_element_type3A_125 masked %unique3A_117 {add = true} : memref<80x128xf32, #tpu.memory_space<vmem>>[vector<16xi32>, vector<16xi32>], vector<16xf32>, vector<16xi1>
        %get3A_126 = arith.constant 64 : index
        %get3A_127 = tpu.vector_load %arg14[%get3A_126] {strides = array<i32>} : memref<128xi32, #tpu.memory_space<vmem>>, vector<16xi32>,
        %broadcast_in_dim3A_128 = arith.constant true
        %broadcast_in_dim3A_129 = vector.broadcast %broadcast_in_dim3A_128 : i1 to vector<16xi1>
        %unique3A_130, %unique3A_131 = tpu.scan_count mask(%broadcast_in_dim3A_129 : vector<16xi1>) value(%get3A_127 : vector<16xi32>) : vector<16xi1>, vector<16xi32>
        %shift_right_arithmetic3A_132 = arith.constant 7 : i32
        %shift_right_arithmetic3A_133 = vector.broadcast %shift_right_arithmetic3A_132 : i32 to vector<16xi32>
        %shift_right_arithmetic3A_134 = arith.shrsi %get3A_127, %shift_right_arithmetic3A_133 : vector<16xi32>
        %and3A_135 = arith.constant 127 : i32
        %and3A_136 = vector.broadcast %and3A_135 : i32 to vector<16xi32>
        %and3A_137 = arith.andi %get3A_127, %and3A_136 : vector<16xi32>
        %convert_element_type3A_138 = arith.sitofp %unique3A_131 : vector<16xi32> to vector<16xf32>
        tpu.vector_store_idx %arg17[%shift_right_arithmetic3A_134, %and3A_137], %convert_element_type3A_138 masked %unique3A_130 {add = true} : memref<80x128xf32, #tpu.memory_space<vmem>>[vector<16xi32>, vector<16xi32>], vector<16xf32>, vector<16xi1>
        %get3A_139 = arith.constant 80 : index
        %get3A_140 = tpu.vector_load %arg14[%get3A_139] {strides = array<i32>} : memref<128xi32, #tpu.memory_space<vmem>>, vector<16xi32>,
        %broadcast_in_dim3A_141 = arith.constant true
        %broadcast_in_dim3A_142 = vector.broadcast %broadcast_in_dim3A_141 : i1 to vector<16xi1>
        %unique3A_143, %unique3A_144 = tpu.scan_count mask(%broadcast_in_dim3A_142 : vector<16xi1>) value(%get3A_140 : vector<16xi32>) : vector<16xi1>, vector<16xi32>
        %shift_right_arithmetic3A_145 = arith.constant 7 : i32
        %shift_right_arithmetic3A_146 = vector.broadcast %shift_right_arithmetic3A_145 : i32 to vector<16xi32>
        %shift_right_arithmetic3A_147 = arith.shrsi %get3A_140, %shift_right_arithmetic3A_146 : vector<16xi32>
        %and3A_148 = arith.constant 127 : i32
        %and3A_149 = vector.broadcast %and3A_148 : i32 to vector<16xi32>
        %and3A_150 = arith.andi %get3A_140, %and3A_149 : vector<16xi32>
        %convert_element_type3A_151 = arith.sitofp %unique3A_144 : vector<16xi32> to vector<16xf32>
        tpu.vector_store_idx %arg17[%shift_right_arithmetic3A_147, %and3A_150], %convert_element_type3A_151 masked %unique3A_143 {add = true} : memref<80x128xf32, #tpu.memory_space<vmem>>[vector<16xi32>, vector<16xi32>], vector<16xf32>, vector<16xi1>
        %get3A_152 = arith.constant 96 : index
        %get3A_153 = tpu.vector_load %arg14[%get3A_152] {strides = array<i32>} : memref<128xi32, #tpu.memory_space<vmem>>, vector<16xi32>,
        %broadcast_in_dim3A_154 = arith.constant true
        %broadcast_in_dim3A_155 = vector.broadcast %broadcast_in_dim3A_154 : i1 to vector<16xi1>
        %unique3A_156, %unique3A_157 = tpu.scan_count mask(%broadcast_in_dim3A_155 : vector<16xi1>) value(%get3A_153 : vector<16xi32>) : vector<16xi1>, vector<16xi32>
        %shift_right_arithmetic3A_158 = arith.constant 7 : i32
        %shift_right_arithmetic3A_159 = vector.broadcast %shift_right_arithmetic3A_158 : i32 to vector<16xi32>
        %shift_right_arithmetic3A_160 = arith.shrsi %get3A_153, %shift_right_arithmetic3A_159 : vector<16xi32>
        %and3A_161 = arith.constant 127 : i32
        %and3A_162 = vector.broadcast %and3A_161 : i32 to vector<16xi32>
        %and3A_163 = arith.andi %get3A_153, %and3A_162 : vector<16xi32>
        %convert_element_type3A_164 = arith.sitofp %unique3A_157 : vector<16xi32> to vector<16xf32>
        tpu.vector_store_idx %arg17[%shift_right_arithmetic3A_160, %and3A_163], %convert_element_type3A_164 masked %unique3A_156 {add = true} : memref<80x128xf32, #tpu.memory_space<vmem>>[vector<16xi32>, vector<16xi32>], vector<16xf32>, vector<16xi1>
        %get3A_165 = arith.constant 112 : index
        %get3A_166 = tpu.vector_load %arg14[%get3A_165] {strides = array<i32>} : memref<128xi32, #tpu.memory_space<vmem>>, vector<16xi32>,
        %broadcast_in_dim3A_167 = arith.constant true
        %broadcast_in_dim3A_168 = vector.broadcast %broadcast_in_dim3A_167 : i1 to vector<16xi1>
        %unique3A_169, %unique3A_170 = tpu.scan_count mask(%broadcast_in_dim3A_168 : vector<16xi1>) value(%get3A_166 : vector<16xi32>) : vector<16xi1>, vector<16xi32>
        %shift_right_arithmetic3A_171 = arith.constant 7 : i32
        %shift_right_arithmetic3A_172 = vector.broadcast %shift_right_arithmetic3A_171 : i32 to vector<16xi32>
        %shift_right_arithmetic3A_173 = arith.shrsi %get3A_166, %shift_right_arithmetic3A_172 : vector<16xi32>
        %and3A_174 = arith.constant 127 : i32
        %and3A_175 = vector.broadcast %and3A_174 : i32 to vector<16xi32>
        %and3A_176 = arith.andi %get3A_166, %and3A_175 : vector<16xi32>
        %convert_element_type3A_177 = arith.sitofp %unique3A_170 : vector<16xi32> to vector<16xf32>
        tpu.vector_store_idx %arg17[%shift_right_arithmetic3A_173, %and3A_176], %convert_element_type3A_177 masked %unique3A_169 {add = true} : memref<80x128xf32, #tpu.memory_space<vmem>>[vector<16xi32>, vector<16xi32>], vector<16xf32>, vector<16xi1>
      }
      %scan3A_58 = arith.constant 78 : i32
      %add3A_59 = arith.constant 9984 : i32
      %add3A_60 = arith.addi %mul3A_53, %add3A_59 : i32
      "tpu.region"() ({
        %run_scoped3A = tpu.sem_alloc : memref<!tpu.dma_semaphore, #tpu.memory_space<semaphore_mem>>
        %dma_start3A = arith.constant 0 : i32
        %dma_start3A_70 = arith.constant 0 : i32
        %dma_start3A_71 = tpu.memref_slice %arg13[%dma_start3A, %dma_start3A_70] : memref<128x128xf32, #tpu.memory_space<vmem>> -> memref<16x128xf32, #tpu.memory_space<vmem>>
        %dma_start3A_72 = arith.constant 0 : i32
        %dma_start3A_73 = tpu.memref_slice %arg4[%add3A_60, %dma_start3A_72] : memref<160000x128xf32, #tpu.memory_space<hbm>> -> memref<16x128xf32, #tpu.memory_space<hbm>>
        %dma_start3A_74 = arith.constant 0 : i32
        %dma_start3A_75 = arith.constant 0 : i32
        %dma_start3A_76 = tpu.memref_slice %arg13[%dma_start3A_74, %dma_start3A_75] : memref<128x128xf32, #tpu.memory_space<vmem>> -> memref<16x128xf32, #tpu.memory_space<vmem>>
        %dma_start3A_77 = arith.constant 0 : i32
        %dma_start3A_78 = tpu.memref_slice %arg4[%add3A_60, %dma_start3A_77] : memref<160000x128xf32, #tpu.memory_space<hbm>> -> memref<16x128xf32, #tpu.memory_space<hbm>>
        tpu.enqueue_dma source(%dma_start3A_78 : memref<16x128xf32, #tpu.memory_space<hbm>>) target(%dma_start3A_76 : memref<16x128xf32, #tpu.memory_space<vmem>>) target_semaphore(%run_scoped3A : memref<!tpu.dma_semaphore, #tpu.memory_space<semaphore_mem>>)
        %dma_wait3A = arith.constant 0 : i32
        %dma_wait3A_79 = arith.constant 0 : i32
        %dma_wait3A_80 = tpu.memref_slice %arg13[%dma_wait3A, %dma_wait3A_79] : memref<128x128xf32, #tpu.memory_space<vmem>> -> memref<16x128xf32, #tpu.memory_space<vmem>>
        %dma_wait3A_81 = arith.constant 0 : i32
        %dma_wait3A_82 = tpu.memref_slice %arg4[%add3A_60, %dma_wait3A_81] : memref<160000x128xf32, #tpu.memory_space<hbm>> -> memref<16x128xf32, #tpu.memory_space<hbm>>
        %dma_wait3A_83 = arith.constant 0 : i32
        %dma_wait3A_84 = arith.constant 0 : i32
        %dma_wait3A_85 = tpu.memref_slice %arg13[%dma_wait3A_83, %dma_wait3A_84] : memref<128x128xf32, #tpu.memory_space<vmem>> -> memref<16x128xf32, #tpu.memory_space<vmem>>
        %dma_wait3A_86 = arith.constant 0 : i32
        %dma_wait3A_87 = tpu.memref_slice %arg4[%add3A_60, %dma_wait3A_86] : memref<160000x128xf32, #tpu.memory_space<hbm>> -> memref<16x128xf32, #tpu.memory_space<hbm>>
        tpu.wait_dma2 semaphore(%run_scoped3A : memref<!tpu.dma_semaphore, #tpu.memory_space<semaphore_mem>>) src(%dma_wait3A_87 : memref<16x128xf32, #tpu.memory_space<hbm>>) dst(%dma_wait3A_85 : memref<16x128xf32, #tpu.memory_space<vmem>>)
        tpu.yield
      }) : () -> ()
      "tpu.region"() ({
        %run_scoped3A = tpu.sem_alloc : memref<!tpu.dma_semaphore, #tpu.memory_space<semaphore_mem>>
        %dma_start3A = tpu.memref_slice %arg5[%add3A_60] : memref<160000xi32, #tpu.memory_space<hbm>> -> memref<16xi32, #tpu.memory_space<hbm>>
        %dma_start3A_70 = tpu.memref_slice %arg5[%add3A_60] : memref<160000xi32, #tpu.memory_space<hbm>> -> memref<16xi32, #tpu.memory_space<hbm>>
        tpu.enqueue_dma source(%dma_start3A_70 : memref<16xi32, #tpu.memory_space<hbm>>) target(%arg16 : memref<16xi32, #tpu.memory_space<vmem>>) target_semaphore(%run_scoped3A : memref<!tpu.dma_semaphore, #tpu.memory_space<semaphore_mem>>)
        %dma_wait3A = tpu.memref_slice %arg5[%add3A_60] : memref<160000xi32, #tpu.memory_space<hbm>> -> memref<16xi32, #tpu.memory_space<hbm>>
        %dma_wait3A_71 = tpu.memref_slice %arg5[%add3A_60] : memref<160000xi32, #tpu.memory_space<hbm>> -> memref<16xi32, #tpu.memory_space<hbm>>
        tpu.wait_dma2 semaphore(%run_scoped3A : memref<!tpu.dma_semaphore, #tpu.memory_space<semaphore_mem>>) src(%dma_wait3A_71 : memref<16xi32, #tpu.memory_space<hbm>>) dst(%arg16 : memref<16xi32, #tpu.memory_space<vmem>>)
        tpu.yield
      }) : () -> ()
      "tpu.region"() ({
        %run_scoped3A = tpu.sem_alloc : memref<!tpu.dma_semaphore, #tpu.memory_space<semaphore_mem>>
        %dma_start3A = arith.constant 0 : i32
        %dma_start3A_70 = arith.constant 0 : i32
        %dma_start3A_71 = tpu.memref_slice %arg13[%dma_start3A, %dma_start3A_70] : memref<128x128xf32, #tpu.memory_space<vmem>> -> memref<16x128xf32, #tpu.memory_space<vmem>>
        %dma_start3A_72 = arith.constant 0 : i32
        %dma_start3A_73 = arith.constant 0 : i32
        %dma_start3A_74 = tpu.memref_slice %arg11[%dma_start3A_72, %dma_start3A_73] : memref<10240x128xf32, #tpu.memory_space<vmem_shared>> -> memref<10240x128xf32, #tpu.memory_space<vmem_shared>>
        tpu.enqueue_indirect_dma source(%dma_start3A_71 : memref<16x128xf32, #tpu.memory_space<vmem>>) target(%dma_start3A_74 : memref<10240x128xf32, #tpu.memory_space<vmem_shared>>) offsets(%arg16 : memref<16xi32, #tpu.memory_space<vmem>>) semaphore(%run_scoped3A : memref<!tpu.dma_semaphore, #tpu.memory_space<semaphore_mem>>) {add = true}
        %dma_wait3A = arith.constant 0 : i32
        %dma_wait3A_75 = arith.constant 0 : i32
        %dma_wait3A_76 = tpu.memref_slice %arg13[%dma_wait3A, %dma_wait3A_75] : memref<128x128xf32, #tpu.memory_space<vmem>> -> memref<16x128xf32, #tpu.memory_space<vmem>>
        %dma_wait3A_77 = arith.constant 0 : i32
        %dma_wait3A_78 = arith.constant 0 : i32
        %dma_wait3A_79 = tpu.memref_slice %arg11[%dma_wait3A_77, %dma_wait3A_78] : memref<10240x128xf32, #tpu.memory_space<vmem_shared>> -> memref<10240x128xf32, #tpu.memory_space<vmem_shared>>
        tpu.wait_indirect_dma semaphore(%run_scoped3A : memref<!tpu.dma_semaphore, #tpu.memory_space<semaphore_mem>>) src(%dma_wait3A_76 : memref<16x128xf32, #tpu.memory_space<vmem>>) dst(%dma_wait3A_79 : memref<10240x128xf32, #tpu.memory_space<vmem_shared>>)
        tpu.yield
      }) : () -> ()
      %get3A = arith.constant 0 : index
      %get3A_61 = tpu.vector_load %arg16[%get3A] {strides = array<i32>} : memref<16xi32, #tpu.memory_space<vmem>>, vector<16xi32>,
      %broadcast_in_dim3A_62 = arith.constant true
      %broadcast_in_dim3A_63 = vector.broadcast %broadcast_in_dim3A_62 : i1 to vector<16xi1>
      %unique3A, %unique3A_64 = tpu.scan_count mask(%broadcast_in_dim3A_63 : vector<16xi1>) value(%get3A_61 : vector<16xi32>) : vector<16xi1>, vector<16xi32>
      %shift_right_arithmetic3A = arith.constant 7 : i32
      %shift_right_arithmetic3A_65 = vector.broadcast %shift_right_arithmetic3A : i32 to vector<16xi32>
      %shift_right_arithmetic3A_66 = arith.shrsi %get3A_61, %shift_right_arithmetic3A_65 : vector<16xi32>
      %and3A = arith.constant 127 : i32
      %and3A_67 = vector.broadcast %and3A : i32 to vector<16xi32>
      %and3A_68 = arith.andi %get3A_61, %and3A_67 : vector<16xi32>
      %convert_element_type3A_69 = arith.sitofp %unique3A_64 : vector<16xi32> to vector<16xf32>
      tpu.vector_store_idx %arg17[%shift_right_arithmetic3A_66, %and3A_68], %convert_element_type3A_69 masked %unique3A {add = true} : memref<80x128xf32, #tpu.memory_space<vmem>>[vector<16xi32>, vector<16xi32>], vector<16xf32>, vector<16xi1>
    } else {
    }
    "tpu.region"() ({
      %run_scoped3A = tpu.sem_alloc : memref<!tpu.dma_semaphore, #tpu.memory_space<semaphore_mem>>
      %dma_start3A = arith.constant 0 : i32
      %dma_start3A_52 = arith.constant 0 : i32
      %dma_start3A_53 = tpu.memref_slice %arg12[%dma_start3A, %dma_start3A_52] : memref<80x128xf32, #tpu.memory_space<vmem_shared>> -> memref<80x128xf32, #tpu.memory_space<vmem_shared>>
      tpu.enqueue_indirect_dma source(%arg17 : memref<80x128xf32, #tpu.memory_space<vmem>>) target(%dma_start3A_53 : memref<80x128xf32, #tpu.memory_space<vmem_shared>>) offsets(%arg18 : memref<80xi32, #tpu.memory_space<vmem>>) semaphore(%run_scoped3A : memref<!tpu.dma_semaphore, #tpu.memory_space<semaphore_mem>>) {add = true}
      %dma_wait3A = arith.constant 0 : i32
      %dma_wait3A_54 = arith.constant 0 : i32
      %dma_wait3A_55 = tpu.memref_slice %arg12[%dma_wait3A, %dma_wait3A_54] : memref<80x128xf32, #tpu.memory_space<vmem_shared>> -> memref<80x128xf32, #tpu.memory_space<vmem_shared>>
      tpu.wait_indirect_dma semaphore(%run_scoped3A : memref<!tpu.dma_semaphore, #tpu.memory_space<semaphore_mem>>) src(%arg17 : memref<80x128xf32, #tpu.memory_space<vmem>>) dst(%dma_wait3A_55 : memref<80x128xf32, #tpu.memory_space<vmem_shared>>)
      tpu.yield
    }) : () -> ()
    %barrier3A_41 = arith.constant 0 : index
    tpu.barrier barrier_id(%barrier3A_41)
    %eq3A_42 = arith.constant 0 : i32
    %eq3A_43 = arith.cmpi eq, %arg0, %eq3A_42 : i32
    %convert_element_type3A_44 = arith.extui %eq3A_43 : i1 to i32
    %cond3A_45 = arith.constant 0 : i32
    %cond3A_46 = arith.cmpi ne, %convert_element_type3A_44, %cond3A_45 : i32
    scf.if %cond3A_46 {
      "tpu.region"() ({
        %run_scoped3A = tpu.sem_alloc : memref<!tpu.dma_semaphore, #tpu.memory_space<semaphore_mem>>
        %dma_start3A = arith.constant 0 : i32
        %dma_start3A_57 = tpu.memref_slice %arg7[%mul3A_0, %dma_start3A] : memref<10240x128xf32, #tpu.memory_space<hbm>> -> memref<640x128xf32, #tpu.memory_space<hbm>>
        %dma_start3A_58 = arith.constant 0 : i32
        %dma_start3A_59 = tpu.memref_slice %arg11[%mul3A_0, %dma_start3A_58] : memref<10240x128xf32, #tpu.memory_space<vmem_shared>> -> memref<640x128xf32, #tpu.memory_space<vmem_shared>>
        tpu.enqueue_dma source(%dma_start3A_59 : memref<640x128xf32, #tpu.memory_space<vmem_shared>>) target(%dma_start3A_57 : memref<640x128xf32, #tpu.memory_space<hbm>>) target_semaphore(%run_scoped3A : memref<!tpu.dma_semaphore, #tpu.memory_space<semaphore_mem>>)
        %dma_wait3A = arith.constant 0 : i32
        %dma_wait3A_60 = tpu.memref_slice %arg7[%mul3A_0, %dma_wait3A] : memref<10240x128xf32, #tpu.memory_space<hbm>> -> memref<640x128xf32, #tpu.memory_space<hbm>>
        %dma_wait3A_61 = arith.constant 0 : i32
        %dma_wait3A_62 = tpu.memref_slice %arg11[%mul3A_0, %dma_wait3A_61] : memref<10240x128xf32, #tpu.memory_space<vmem_shared>> -> memref<640x128xf32, #tpu.memory_space<vmem_shared>>
        tpu.wait_dma2 semaphore(%run_scoped3A : memref<!tpu.dma_semaphore, #tpu.memory_space<semaphore_mem>>) src(%dma_wait3A_62 : memref<640x128xf32, #tpu.memory_space<vmem_shared>>) dst(%dma_wait3A_60 : memref<640x128xf32, #tpu.memory_space<hbm>>)
        tpu.yield
      }) : () -> ()
      %eq3A_52 = arith.constant 0 : i32
      %eq3A_53 = arith.cmpi eq, %arg1, %eq3A_52 : i32
      %convert_element_type3A_54 = arith.extui %eq3A_53 : i1 to i32
      %cond3A_55 = arith.constant 0 : i32
      %cond3A_56 = arith.cmpi ne, %convert_element_type3A_54, %cond3A_55 : i32
      scf.if %cond3A_56 {
        "tpu.region"() ({
          %run_scoped3A = tpu.sem_alloc : memref<!tpu.dma_semaphore, #tpu.memory_space<semaphore_mem>>
          tpu.enqueue_dma source(%arg12 : memref<80x128xf32, #tpu.memory_space<vmem_shared>>) target(%arg8 : memref<80x128xf32, #tpu.memory_space<hbm>>) target_semaphore(%run_scoped3A : memref<!tpu.dma_semaphore, #tpu.memory_space<semaphore_mem>>)
          tpu.wait_dma2 semaphore(%run_scoped3A : memref<!tpu.dma_semaphore, #tpu.memory_space<semaphore_mem>>) src(%arg12 : memref<80x128xf32, #tpu.memory_space<vmem_shared>>) dst(%arg8 : memref<80x128xf32, #tpu.memory_space<hbm>>)
          tpu.yield
        }) : () -> ()
      } else {
      }
    } else {
    }
    %eq3A_47 = arith.constant 1 : i32
    %eq3A_48 = arith.cmpi eq, %arg0, %eq3A_47 : i32
    %convert_element_type3A_49 = arith.extui %eq3A_48 : i1 to i32
    %cond3A_50 = arith.constant 0 : i32
    %cond3A_51 = arith.cmpi ne, %convert_element_type3A_49, %cond3A_50 : i32
    scf.if %cond3A_51 {
      "tpu.region"() ({
        %run_scoped3A = tpu.sem_alloc : memref<!tpu.dma_semaphore, #tpu.memory_space<semaphore_mem>>
        %dma_start3A = arith.constant 0 : i32
        %dma_start3A_57 = tpu.memref_slice %arg9[%mul3A_0, %dma_start3A] : memref<10240x128xf32, #tpu.memory_space<hbm>> -> memref<640x128xf32, #tpu.memory_space<hbm>>
        %dma_start3A_58 = arith.constant 0 : i32
        %dma_start3A_59 = tpu.memref_slice %arg11[%mul3A_0, %dma_start3A_58] : memref<10240x128xf32, #tpu.memory_space<vmem_shared>> -> memref<640x128xf32, #tpu.memory_space<vmem_shared>>
        tpu.enqueue_dma source(%dma_start3A_59 : memref<640x128xf32, #tpu.memory_space<vmem_shared>>) target(%dma_start3A_57 : memref<640x128xf32, #tpu.memory_space<hbm>>) target_semaphore(%run_scoped3A : memref<!tpu.dma_semaphore, #tpu.memory_space<semaphore_mem>>)
        %dma_wait3A = arith.constant 0 : i32
        %dma_wait3A_60 = tpu.memref_slice %arg9[%mul3A_0, %dma_wait3A] : memref<10240x128xf32, #tpu.memory_space<hbm>> -> memref<640x128xf32, #tpu.memory_space<hbm>>
        %dma_wait3A_61 = arith.constant 0 : i32
        %dma_wait3A_62 = tpu.memref_slice %arg11[%mul3A_0, %dma_wait3A_61] : memref<10240x128xf32, #tpu.memory_space<vmem_shared>> -> memref<640x128xf32, #tpu.memory_space<vmem_shared>>
        tpu.wait_dma2 semaphore(%run_scoped3A : memref<!tpu.dma_semaphore, #tpu.memory_space<semaphore_mem>>) src(%dma_wait3A_62 : memref<640x128xf32, #tpu.memory_space<vmem_shared>>) dst(%dma_wait3A_60 : memref<640x128xf32, #tpu.memory_space<hbm>>)
        tpu.yield
      }) : () -> ()
      %eq3A_52 = arith.constant 0 : i32
      %eq3A_53 = arith.cmpi eq, %arg1, %eq3A_52 : i32
      %convert_element_type3A_54 = arith.extui %eq3A_53 : i1 to i32
      %cond3A_55 = arith.constant 0 : i32
      %cond3A_56 = arith.cmpi ne, %convert_element_type3A_54, %cond3A_55 : i32
      scf.if %cond3A_56 {
        "tpu.region"() ({
          %run_scoped3A = tpu.sem_alloc : memref<!tpu.dma_semaphore, #tpu.memory_space<semaphore_mem>>
          tpu.enqueue_dma source(%arg12 : memref<80x128xf32, #tpu.memory_space<vmem_shared>>) target(%arg10 : memref<80x128xf32, #tpu.memory_space<hbm>>) target_semaphore(%run_scoped3A : memref<!tpu.dma_semaphore, #tpu.memory_space<semaphore_mem>>)
          tpu.wait_dma2 semaphore(%run_scoped3A : memref<!tpu.dma_semaphore, #tpu.memory_space<semaphore_mem>>) src(%arg12 : memref<80x128xf32, #tpu.memory_space<vmem_shared>>) dst(%arg10 : memref<80x128xf32, #tpu.memory_space<hbm>>)
          tpu.yield
        }) : () -> ()
      } else {
      }
    } else {
    }
    return
  }
}

module attributes {stable_mosaic.version = 14 : i64} {
  func.func @_tc_body(%arg0: i32, %arg1: memref<512x128xf32, #tpu.memory_space<vmem>>, %arg2: memref<512x128xf32, #tpu.memory_space<vmem>>, %arg3: memref<512x1xf32, #tpu.memory_space<vmem>>, %arg4: memref<512x128xf32, #tpu.memory_space<vmem>>, %arg5: memref<512x1xf32, #tpu.memory_space<vmem>>, %arg6: memref<384x128xf32, #tpu.memory_space<vmem>>, %arg7: memref<1x128xf32, #tpu.memory_space<vmem>>, %arg8: memref<128x128xf32, #tpu.memory_space<vmem>>, %arg9: memref<1x128xf32, #tpu.memory_space<vmem>>, %arg10: memref<1x128xf32, #tpu.memory_space<vmem>>, %arg11: memref<1x128xf32, #tpu.memory_space<vmem>>, %arg12: memref<512x128xf32, #tpu.memory_space<vmem>>) attributes {dimension_semantics = [#tpu.dimension_semantics<arbitrary>], iteration_bounds = array<i64: 20>, scalar_prefetch = 0 : i64, scratch_operands = 0 : i64, tpu.core_type = #tpu.core_type<tc>, window_params = [{transform_indices = @transform_0, window_bounds = array<i64: 512, 128>}, {transform_indices = @transform_1, window_bounds = array<i64: 512, 128>}, {transform_indices = @transform_2, window_bounds = array<i64: 512, 1>}, {transform_indices = @transform_3, window_bounds = array<i64: 512, 128>}, {transform_indices = @transform_4, window_bounds = array<i64: 512, 1>}, {pipeline_mode = #tpu.pipeline_mode<synchronous>, transform_indices = @transform_5, window_bounds = array<i64: 384, 128>}, {pipeline_mode = #tpu.pipeline_mode<synchronous>, transform_indices = @transform_6, window_bounds = array<i64: 1, 128>}, {pipeline_mode = #tpu.pipeline_mode<synchronous>, transform_indices = @transform_7, window_bounds = array<i64: 128, 128>}, {pipeline_mode = #tpu.pipeline_mode<synchronous>, transform_indices = @transform_8, window_bounds = array<i64: 1, 128>}, {pipeline_mode = #tpu.pipeline_mode<synchronous>, transform_indices = @transform_9, window_bounds = array<i64: 1, 128>}, {pipeline_mode = #tpu.pipeline_mode<synchronous>, transform_indices = @transform_10, window_bounds = array<i64: 1, 128>}, {transform_indices = @transform_11, window_bounds = array<i64: 512, 128>}]} {
    %get3A = arith.constant 0 : index
    %get3A_0 = arith.constant 0 : index
    %get3A_1 = vector.load %arg1[%get3A, %get3A_0] : memref<512x128xf32, #tpu.memory_space<vmem>>, vector<512x128xf32>
    %get3A_2 = arith.constant 0 : index
    %get3A_3 = arith.constant 0 : index
    %get3A_4 = vector.load %arg2[%get3A_2, %get3A_3] : memref<512x128xf32, #tpu.memory_space<vmem>>, vector<512x128xf32>
    %get3A_5 = arith.constant 0 : index
    %get3A_6 = arith.constant 0 : index
    %get3A_7 = vector.load %arg3[%get3A_5, %get3A_6] : memref<512x1xf32, #tpu.memory_space<vmem>>, vector<512x1xf32>
    %max3A = arith.constant 1.000000e+00 : f32
    %max3A_8 = vector.broadcast %max3A : f32 to vector<512x1xf32>
    %max3A_9 = arith.maximumf %get3A_7, %max3A_8 : vector<512x1xf32>
    %div3A = arith.constant 1.000000e+00 : f32
    %div3A_10 = vector.broadcast %div3A : f32 to vector<512x1xf32>
    %div3A_11 = arith.divf %div3A_10, %max3A_9 : vector<512x1xf32>
    %mul3A = vector.broadcast %div3A_11 : vector<512x1xf32> to vector<512x128xf32>
    %mul3A_12 = arith.mulf %get3A_4, %mul3A : vector<512x128xf32>
    %get3A_13 = arith.constant 0 : index
    %get3A_14 = arith.constant 0 : index
    %get3A_15 = vector.load %arg4[%get3A_13, %get3A_14] : memref<512x128xf32, #tpu.memory_space<vmem>>, vector<512x128xf32>
    %get3A_16 = arith.constant 0 : index
    %get3A_17 = arith.constant 0 : index
    %get3A_18 = vector.load %arg5[%get3A_16, %get3A_17] : memref<512x1xf32, #tpu.memory_space<vmem>>, vector<512x1xf32>
    %max3A_19 = arith.constant 1.000000e+00 : f32
    %max3A_20 = vector.broadcast %max3A_19 : f32 to vector<512x1xf32>
    %max3A_21 = arith.maximumf %get3A_18, %max3A_20 : vector<512x1xf32>
    %div3A_22 = arith.constant 1.000000e+00 : f32
    %div3A_23 = vector.broadcast %div3A_22 : f32 to vector<512x1xf32>
    %div3A_24 = arith.divf %div3A_23, %max3A_21 : vector<512x1xf32>
    %mul3A_25 = vector.broadcast %div3A_24 : vector<512x1xf32> to vector<512x128xf32>
    %mul3A_26 = arith.mulf %get3A_15, %mul3A_25 : vector<512x128xf32>
    %get3A_27 = arith.constant 0 : index
    %get3A_28 = arith.constant 0 : index
    %get3A_29 = vector.load %arg6[%get3A_27, %get3A_28] : memref<384x128xf32, #tpu.memory_space<vmem>>, vector<384x128xf32>
    %slice3A = vector.extract_strided_slice %get3A_29 {offsets = [0, 0], sizes = [128, 128], strides = [1, 1]} : vector<384x128xf32> to vector<128x128xf32>
    %dot_general3A = arith.constant dense<0.000000e+00> : vector<512x128xf32>
    %dot_general3A_30 = tpu.matmul %get3A_1, %slice3A, %dot_general3A {dimension_numbers = #tpu.dot_dimension_numbers<[1], [0], [0], [1], [0, 0, 1, 1], [], []>, precision = #tpu.contract_precision<fp32>, transpose_lhs_hint = false} : vector<512x128xf32>, vector<128x128xf32>, vector<512x128xf32> -> vector<512x128xf32>
    %slice3A_31 = vector.extract_strided_slice %get3A_29 {offsets = [128, 0], sizes = [128, 128], strides = [1, 1]} : vector<384x128xf32> to vector<128x128xf32>
    %dot_general3A_32 = arith.constant dense<0.000000e+00> : vector<512x128xf32>
    %dot_general3A_33 = tpu.matmul %mul3A_12, %slice3A_31, %dot_general3A_32 {dimension_numbers = #tpu.dot_dimension_numbers<[1], [0], [0], [1], [0, 0, 1, 1], [], []>, precision = #tpu.contract_precision<fp32>, transpose_lhs_hint = false} : vector<512x128xf32>, vector<128x128xf32>, vector<512x128xf32> -> vector<512x128xf32>
    %add3A = arith.addf %dot_general3A_30, %dot_general3A_33 : vector<512x128xf32>
    %slice3A_34 = vector.extract_strided_slice %get3A_29 {offsets = [256, 0], sizes = [128, 128], strides = [1, 1]} : vector<384x128xf32> to vector<128x128xf32>
    %dot_general3A_35 = arith.constant dense<0.000000e+00> : vector<512x128xf32>
    %dot_general3A_36 = tpu.matmul %mul3A_26, %slice3A_34, %dot_general3A_35 {dimension_numbers = #tpu.dot_dimension_numbers<[1], [0], [0], [1], [0, 0, 1, 1], [], []>, precision = #tpu.contract_precision<fp32>, transpose_lhs_hint = false} : vector<512x128xf32>, vector<128x128xf32>, vector<512x128xf32> -> vector<512x128xf32>
    %add3A_37 = arith.addf %add3A, %dot_general3A_36 : vector<512x128xf32>
    %get3A_38 = arith.constant 0 : index
    %get3A_39 = arith.constant 0 : index
    %get3A_40 = vector.load %arg7[%get3A_38, %get3A_39] : memref<1x128xf32, #tpu.memory_space<vmem>>, vector<1x128xf32>
    %add3A_41 = vector.broadcast %get3A_40 : vector<1x128xf32> to vector<512x128xf32>
    %add3A_42 = arith.addf %add3A_37, %add3A_41 : vector<512x128xf32>
    %max3A_43 = arith.constant 0.000000e+00 : f32
    %max3A_44 = vector.broadcast %max3A_43 : f32 to vector<512x128xf32>
    %max3A_45 = arith.maximumf %add3A_42, %max3A_44 : vector<512x128xf32>
    %get3A_46 = arith.constant 0 : index
    %get3A_47 = arith.constant 0 : index
    %get3A_48 = vector.load %arg8[%get3A_46, %get3A_47] : memref<128x128xf32, #tpu.memory_space<vmem>>, vector<128x128xf32>
    %dot_general3A_49 = arith.constant dense<0.000000e+00> : vector<512x128xf32>
    %dot_general3A_50 = tpu.matmul %max3A_45, %get3A_48, %dot_general3A_49 {dimension_numbers = #tpu.dot_dimension_numbers<[1], [0], [0], [1], [0, 0, 1, 1], [], []>, precision = #tpu.contract_precision<fp32>, transpose_lhs_hint = false} : vector<512x128xf32>, vector<128x128xf32>, vector<512x128xf32> -> vector<512x128xf32>
    %get3A_51 = arith.constant 0 : index
    %get3A_52 = arith.constant 0 : index
    %get3A_53 = vector.load %arg9[%get3A_51, %get3A_52] : memref<1x128xf32, #tpu.memory_space<vmem>>, vector<1x128xf32>
    %add3A_54 = vector.broadcast %get3A_53 : vector<1x128xf32> to vector<512x128xf32>
    %add3A_55 = arith.addf %dot_general3A_50, %add3A_54 : vector<512x128xf32>
    %reduce_sum3A = arith.constant dense<0.000000e+00> : vector<512xf32>
    %reduce_sum3A_56 = vector.multi_reduction <add>, %add3A_55, %reduce_sum3A [1] : vector<512x128xf32> to vector<512xf32>
    %broadcast_in_dim3A = vector.shape_cast %reduce_sum3A_56 : vector<512xf32> to vector<512x1xf32>
    %div3A_57 = arith.constant 1.280000e+02 : f32
    %div3A_58 = vector.broadcast %div3A_57 : f32 to vector<512x1xf32>
    %div3A_59 = arith.divf %broadcast_in_dim3A, %div3A_58 : vector<512x1xf32>
    %sub3A = vector.broadcast %div3A_59 : vector<512x1xf32> to vector<512x128xf32>
    %sub3A_60 = arith.subf %add3A_55, %sub3A : vector<512x128xf32>
    %mul3A_61 = arith.mulf %sub3A_60, %sub3A_60 : vector<512x128xf32>
    %reduce_sum3A_62 = arith.constant dense<0.000000e+00> : vector<512xf32>
    %reduce_sum3A_63 = vector.multi_reduction <add>, %mul3A_61, %reduce_sum3A_62 [1] : vector<512x128xf32> to vector<512xf32>
    %broadcast_in_dim3A_64 = vector.shape_cast %reduce_sum3A_63 : vector<512xf32> to vector<512x1xf32>
    %div3A_65 = arith.constant 1.280000e+02 : f32
    %div3A_66 = vector.broadcast %div3A_65 : f32 to vector<512x1xf32>
    %div3A_67 = arith.divf %broadcast_in_dim3A_64, %div3A_66 : vector<512x1xf32>
    %add3A_68 = arith.constant 9.99999974E-6 : f32
    %add3A_69 = vector.broadcast %add3A_68 : f32 to vector<512x1xf32>
    %add3A_70 = arith.addf %div3A_67, %add3A_69 : vector<512x1xf32>
    %rsqrt3A = math.rsqrt %add3A_70 : vector<512x1xf32>
    %mul3A_71 = vector.broadcast %rsqrt3A : vector<512x1xf32> to vector<512x128xf32>
    %mul3A_72 = arith.mulf %sub3A_60, %mul3A_71 : vector<512x128xf32>
    %get3A_73 = arith.constant 0 : index
    %get3A_74 = arith.constant 0 : index
    %get3A_75 = vector.load %arg10[%get3A_73, %get3A_74] : memref<1x128xf32, #tpu.memory_space<vmem>>, vector<1x128xf32>
    %mul3A_76 = vector.broadcast %get3A_75 : vector<1x128xf32> to vector<512x128xf32>
    %mul3A_77 = arith.mulf %mul3A_72, %mul3A_76 : vector<512x128xf32>
    %add3A_78 = arith.addf %get3A_1, %mul3A_77 : vector<512x128xf32>
    %get3A_79 = arith.constant 0 : index
    %get3A_80 = arith.constant 0 : index
    %get3A_81 = vector.load %arg11[%get3A_79, %get3A_80] : memref<1x128xf32, #tpu.memory_space<vmem>>, vector<1x128xf32>
    %add3A_82 = vector.broadcast %get3A_81 : vector<1x128xf32> to vector<512x128xf32>
    %add3A_83 = arith.addf %add3A_78, %add3A_82 : vector<512x128xf32>
    %swap3A = arith.constant 0 : index
    %swap3A_84 = arith.constant 0 : index
    %swap3A_85 = vector.load %arg12[%swap3A, %swap3A_84] : memref<512x128xf32, #tpu.memory_space<vmem>>, vector<512x128xf32>
    tpu.vector_store %arg12[%swap3A, %swap3A_84], %add3A_83 {strides = array<i32>} : memref<512x128xf32, #tpu.memory_space<vmem>>, vector<512x128xf32>,
    return
  }
  func.func @transform_0(%arg0: i32) -> (i32, i32) {
    %c0_i32 = arith.constant 0 : i32
    %c0_i32_0 = arith.constant 0 : i32
    return %arg0, %c0_i32 : i32, i32
  }
  func.func @transform_1(%arg0: i32) -> (i32, i32) {
    %c0_i32 = arith.constant 0 : i32
    %c0_i32_0 = arith.constant 0 : i32
    return %arg0, %c0_i32 : i32, i32
  }
  func.func @transform_2(%arg0: i32) -> (i32, i32) {
    %c0_i32 = arith.constant 0 : i32
    %c0_i32_0 = arith.constant 0 : i32
    return %arg0, %c0_i32 : i32, i32
  }
  func.func @transform_3(%arg0: i32) -> (i32, i32) {
    %c0_i32 = arith.constant 0 : i32
    %c0_i32_0 = arith.constant 0 : i32
    return %arg0, %c0_i32 : i32, i32
  }
  func.func @transform_4(%arg0: i32) -> (i32, i32) {
    %c0_i32 = arith.constant 0 : i32
    %c0_i32_0 = arith.constant 0 : i32
    return %arg0, %c0_i32 : i32, i32
  }
  func.func @transform_5(%arg0: i32) -> (i32, i32) {
    %c0_i32 = arith.constant 0 : i32
    %c0_i32_0 = arith.constant 0 : i32
    %c0_i32_1 = arith.constant 0 : i32
    return %c0_i32, %c0_i32_0 : i32, i32
  }
  func.func @transform_6(%arg0: i32) -> (i32, i32) {
    %c0_i32 = arith.constant 0 : i32
    %c0_i32_0 = arith.constant 0 : i32
    %c0_i32_1 = arith.constant 0 : i32
    return %c0_i32, %c0_i32_0 : i32, i32
  }
  func.func @transform_7(%arg0: i32) -> (i32, i32) {
    %c0_i32 = arith.constant 0 : i32
    %c0_i32_0 = arith.constant 0 : i32
    %c0_i32_1 = arith.constant 0 : i32
    return %c0_i32, %c0_i32_0 : i32, i32
  }
  func.func @transform_8(%arg0: i32) -> (i32, i32) {
    %c0_i32 = arith.constant 0 : i32
    %c0_i32_0 = arith.constant 0 : i32
    %c0_i32_1 = arith.constant 0 : i32
    return %c0_i32, %c0_i32_0 : i32, i32
  }
  func.func @transform_9(%arg0: i32) -> (i32, i32) {
    %c0_i32 = arith.constant 0 : i32
    %c0_i32_0 = arith.constant 0 : i32
    %c0_i32_1 = arith.constant 0 : i32
    return %c0_i32, %c0_i32_0 : i32, i32
  }
  func.func @transform_10(%arg0: i32) -> (i32, i32) {
    %c0_i32 = arith.constant 0 : i32
    %c0_i32_0 = arith.constant 0 : i32
    %c0_i32_1 = arith.constant 0 : i32
    return %c0_i32, %c0_i32_0 : i32, i32
  }
  func.func @transform_11(%arg0: i32) -> (i32, i32) {
    %c0_i32 = arith.constant 0 : i32
    %c0_i32_0 = arith.constant 0 : i32
    return %arg0, %c0_i32 : i32, i32
  }
}

</mosaic_0001>

<sc_bundles>
// kernel: kernel.4.cloned.1.call-start
scs
__scs_entry_jumppad:
0x0: {  	(pc) =	sbr.rel $0x88, $3  }
0x1: {  	(tag) =	ssettag $0x0;
	lr =	simm.s32 $0x1  }
0x2: {  	[smem:$0x3F96] =	sst lr;
	_ =	strace $0xD0000000  }
0x3: {  	_ = 	snop  }
0x4: {  	_ = 	snop  }
0x5: {  	_ = 	snop  }
0x6: {  	_ = 	snop  }
0x7: {  	_ = 	snop  }
__scs_overlays_trampoline_lowered:
0x8: {  	[smem:$0x3FA5] =	sst s0  }
0x9: {  	[smem:$0x3FA6] =	sst s1  }
0xa: {  	[smem:$0x3FA7] =	sst s2  }
0xb: {  	[smem:$0x3FA8] =	sst s3  }
0xc: {  	[smem:$0x3FA9] =	sst s4  }
0xd: {  	[smem:$0x3FAA] =	sst s5  }
0xe: {  	[smem:$0x3FAB] =	sst s6  }
0xf: {  	[smem:$0x3FAC] =	sst s7  }
0x10: {  	[smem:$0x3FAD] =	sst s8  }
0x11: {  	[smem:$0x3FAE] =	sst s9;
	s0 =	simm.s32 @!p0 $0x0  }
0x12: {  	s1 =	sld [smem:$0x3F94];
	s0 =	simm.s32 @p0 $0x1  }
0x13: {  	[smem:$0x3FAF] =	sst s0;
	s0 =	simm.s32 @!p1 $0x0  }
0x14: {  	s2 =	sld [smem:$0x3F93];
	s0 =	simm.s32 @p1 $0x1  }
0x15: {  	[smem:$0x3FB0] =	sst s0;
	s0 =	simm.s32 @!p2 $0x0  }
0x16: {  	s3 =	sld [smem:$0x3FDB];
	s0 =	simm.s32 @p2 $0x1  }
0x17: {  	s4 =	simm.s32 $0x1BF5;
	[smem:$0x3FB2] =	sst s0  }
0x18: {  	s0 =	sld [smem:$0x3F95];
	_ =	swait.ge [sflag:s4], $0x0  }
0x19: {  	s7 =	sld [smem:$0x3F96]  }
0x1a: {  	s8 =	sadd.s32 $0xFFFFE003, lr  }
0x1b: {  	s9 =	sadd.s32 $0xFFFFFEF7, lr;
	s5 =	simm.s32 $0xFFFFFFFF;
	p2 =	slt.u32 s8, $0xFFFFF086  }
0x1c: {  	p1 =	slt.u32 s9, $0xF7A;
	s5 =	simm.s32 @!p2 $0x0  }
0x1d: {  	s5 =	simm.s32 @p1 $0x1;
	p0 =	seq.s32 s7, s2  }
0x1e: {  	s7 =	smul.u32 @!p0 $0xF7A, s2;
	p2 =	seq.s32 @!p0 s5, $0x0  }
0x1f: {  	s9 =	smul.u32 $0xF7A, s1;
	s8 =	simm.s32 @!p0 $0x1BF5;
	p2 =	por !p2, p0  }
0x20: {  	[sflag:s8] =	ssyncset.s32 @!p0 $0xFFFFF086;
	s6 =	sadd.s32 @!p0 s3, s7;
	s7 =	simm.s32 @!p0 $0x108  }
0x21: {  	s3 =	sadd.s32 s3, s9;
	s6 =	sadd.s32 @!p0 $0x88, s6;
	s7 =	simm.s32 @p2 $0x1082  }
0x22: {  	[simem:s7], [sflag:s8] =	dma.local @!p0 [hbm:s6], $0xF7A  }
0x23: {  	s9 =	sor.u32 $0xD0000000, s2;
	s6 =	simm.s32 $0x108;
	_ =	swait.ge @!p0 [sflag:s8], $0x0  }
0x24: {  	s3 =	sadd.s32 $0x88, s3;
	s6 =	simm.s32 @!p1 $0x1082;
	[sflag:s4] =	ssyncset.s32 $0xFFFFF086  }
0x25: {  	[simem:s6], [sflag:s4] =	dma.local [hbm:s3], $0xF7A  }
0x26: {  	[smem:$0x3F96] =	sst s1;
	(tag) =	ssettag s2;
	_ =	strace s9  }
0x27: {  	s1 =	sld [smem:$0x3FA6]  }
0x28: {  	s2 =	sld [smem:$0x3FA7]  }
0x29: {  	s4 =	sld [smem:$0x3FA9]  }
0x2a: {  	p0 =	seq.s32 s5, $0x0;
	s5 =	sld [smem:$0x3FAA]  }
0x2b: {  	s6 =	sld [smem:$0x3FAB]  }
0x2c: {  	s7 =	sld [smem:$0x3FAC]  }
0x2d: {  	s3 =	simm.s32 $0x108;
	s8 =	sld [smem:$0x3FAD]  }
0x2e: {  	s3 =	simm.s32 @!p0 $0x1082;
	s9 =	sld [smem:$0x3FAE]  }
0x2f: {  	lr =	sadd.s32 s0, s3;
	s0 =	sld [smem:$0x3FA5]  }
0x30: {  	s3 =	sld [smem:$0x3FA8]  }
0x31: {  	[smem:$0x3FB1] =	sst s10  }
0x32: {  	s10 =	sld [smem:$0x3FAF];
	_ =	sdelay $0x3  }
0x33: {  	p0 =	seq.s32 s10, $0x1;
	s10 =	sld [smem:$0x3FB1];
	_ =	sdelay $0x3  }
0x34: {  	[smem:$0x3FB1] =	sst s10  }
0x35: {  	s10 =	sld [smem:$0x3FB0];
	_ =	sdelay $0x3  }
0x36: {  	p1 =	seq.s32 s10, $0x1;
	s10 =	sld [smem:$0x3FB1];
	_ =	sdelay $0x3  }
0x37: {  	[smem:$0x3FB1] =	sst s10  }
0x38: {  	s10 =	sld [smem:$0x3FB2]  }
0x39: {  	_ = 	snop;
	(pc) =	sbr.ind lr, $3  }
0x3a: {  	_ = 	snop  }
0x3b: {  	_ = 	snop  }
0x3c: {  	p2 =	seq.s32 s10, $0x1;
	s10 =	sld [smem:$0x3FB1]  }
0x3d: {  	_ =	shalt  }
0x3e: {  	_ =	shalt  }
0x3f: {  	_ =	shalt  }
0x40: {  	_ =	shalt  }
0x41: {  	_ =	shalt  }
0x42: {  	_ =	shalt  }
0x43: {  	_ =	shalt  }
0x44: {  	_ =	shalt  }
0x45: {  	_ =	shalt  }
0x46: {  	_ =	shalt  }
0x47: {  	_ =	shalt  }
0x48: {  	_ =	shalt  }
0x49: {  	_ =	shalt  }
0x4a: {  	_ =	shalt  }
0x4b: {  	_ =	shalt  }
0x4c: {  	_ =	shalt  }
0x4d: {  	_ =	shalt  }
0x4e: {  	_ =	shalt  }
0x4f: {  	_ =	shalt  }
0x50: {  	_ =	shalt  }
0x51: {  	_ =	shalt  }
0x52: {  	_ =	shalt  }
0x53: {  	_ =	shalt  }
0x54: {  	_ =	shalt  }
0x55: {  	_ =	shalt  }
0x56: {  	_ =	shalt  }
0x57: {  	_ =	shalt  }
0x58: {  	_ =	shalt  }
0x59: {  	_ =	shalt  }
0x5a: {  	_ =	shalt  }
0x5b: {  	_ =	shalt  }
0x5c: {  	_ =	shalt  }
0x5d: {  	_ =	shalt  }
0x5e: {  	_ =	shalt  }
0x5f: {  	_ =	shalt  }
0x60: {  	_ =	shalt  }
0x61: {  	_ =	shalt  }
0x62: {  	_ =	shalt  }
0x63: {  	_ =	shalt  }
0x64: {  	_ =	shalt  }
0x65: {  	_ =	shalt  }
0x66: {  	_ =	shalt  }
0x67: {  	_ =	shalt  }
0x68: {  	_ =	shalt  }
0x69: {  	_ =	shalt  }
0x6a: {  	_ =	shalt  }
0x6b: {  	_ =	shalt  }
0x6c: {  	_ =	shalt  }
0x6d: {  	_ =	shalt  }
0x6e: {  	_ =	shalt  }
0x6f: {  	_ =	shalt  }
0x70: {  	_ =	shalt  }
0x71: {  	_ =	shalt  }
0x72: {  	_ =	shalt  }
0x73: {  	_ =	shalt  }
0x74: {  	_ =	shalt  }
0x75: {  	_ =	shalt  }
0x76: {  	_ =	shalt  }
0x77: {  	_ =	shalt  }
0x78: {  	_ =	shalt  }
0x79: {  	_ =	shalt  }
0x7a: {  	_ =	shalt  }
0x7b: {  	_ =	shalt  }
0x7c: {  	_ =	shalt  }
0x7d: {  	_ =	shalt  }
0x7e: {  	_ =	shalt  }
0x7f: {  	_ =	shalt  }
0x80: {  	_ =	shalt  }
0x81: {  	_ =	shalt  }
0x82: {  	_ =	shalt  }
0x83: {  	_ =	shalt  }
0x84: {  	_ =	shalt  }
0x85: {  	_ =	shalt  }
0x86: {  	_ =	shalt  }
0x87: {  	_ =	shalt  }
.Lfunc_end0:
.L_simem_size_0:
called_computation_lowered:
.L_overlay_start_0:
0x88: {  	s2 =	sld [smem:$0x3FD9]  }
0x89: {  	s3 =	sld [smem:$0x3FFE];
	_ =	sdelay $0x1  }
0x8a: {  	s1 =	srdreg.scid  }
0x8b: {  	s0 =	sand.u32 $0x1, s1  }
0x8c: {  	s17 =	sshll.u32 s0, $0xA;
	s2 =	sadd.s32 s3, s2  }
0x8d: {  	s2 =	sadd.s32 s2, s17  }
0x8e: {  	[smem:$0x3FBD] =	sst s2  }
0x8f: {  	_ = 	snop  }
0x90: {  	s2 =	sld [smem:$0x3FC8]  }
0x91: {  	s18 =	sld [smem:$0x3FC6]  }
0x92: {  	s4 =	sld [smem:$0x3FD0];
	(tm) =	ssettm $0x1  }
0x93: {  	s5 =	sld [smem:$0x3FFB];
	_ =	sdelay $0x3  }
0x94: {  	_ =	strace s5  }
0x95: {  	s5 =	sld [smem:$0x3FFC];
	_ =	sdelay $0x3  }
0x96: {  	_ =	strace s5  }
0x97: {  	s5 =	sld [smem:$0x3FFD];
	_ =	sdelay $0x3  }
0x98: {  	_ =	strace s5  }
0x99: {  	_ =	strace $0x8FFFFFFF  }
0x9a: {  	s19 =	sld [smem:$0x3FDB];
	_ =	sdelay $0x1  }
0x9b: {  	s6 =	simm.s32 $_scs_section_size  }
0x9c: {  	s7 =	simm.s32 $_size__tile_overlayer_lowered;
	s8 =	simm.s32 $_tile_overlayer_lowered  }
0x9d: {  	s22 =	simm.s32 $0x1BFF;
	s21 =	sshll.u32 s8, $0x1;
	s5 =	sadd.s32 s6, s19  }
0x9e: {  	s9 =	simm.s32 $0x0;
	s20 =	sshll.u32 s7, $0x1;
	s7 =	sadd.s32 s21, s5  }
0x9f: {  	[timem:s9], [sflag:s22] =	dma.local [hbm:s7], s20  }
0xa0: {  	_ =	swait.ge [sflag:s22], s20  }
0xa1: {  	s6 =	ssub.s32 $0x0, s20;
	[sflag:s22] =	ssyncset.done $0x0  }
0xa2: {  	[sflag:s22] =	ssyncadd.s32 s6;
	_ =	sdelay $0x1  }
0xa3: {  	s23 =	simm.s32 $0x1B8B  }
0xa4: {  	_ =	swait.ge [sflag:s23], $0x1  }
0xa5: {  	[sflag:s23] =	ssyncset.done $0x0  }
0xa6: {  	s25 =	simm.s32 $0x1B8E;
	s24 =	sld [smem:$0x3FFE];
	[sflag:s23] =	ssyncadd.s32 $0xFFFFFFFF  }
0xa7: {  	s26 =	simm.s32 $execute0_lowered;
	[smem:$0x3FD2] =	sst s25  }
0xa8: {  	s7 =	sshll.u32 s26, $0x1;
	_ =	strace $0x80000046;
	[dreg:$0x1] =	wrdreg $0xFFFFFFFF  }
0xa9: {  	s28 =	simm.s32 $_size_execute0_lowered;
	s5 =	sadd.s32 s5, s7;
	[dreg:$0x0] =	wrdreg $0x0  }
0xaa: {  	s7 =	sshll.u32 s28, $0x1;
	[dreg:$0x2] =	wrdreg s5  }
0xab: {  	[dreg:$0x3] =	wrdreg s7  }
0xac: {  	[dreg:$0x4] =	wrdreg $0xC0  }
0xad: {  	_ =	task [dreg:s9], $0x5FFFF  }
0xae: {  	[dreg:$0x1] =	wrdreg $0xFFFFFFFF  }
0xaf: {  	[dreg:$0x0] =	wrdreg $0x60  }
0xb0: {  	[dreg:$0x2] =	wrdreg s2  }
0xb1: {  	[dreg:$0x3] =	wrdreg s4  }
0xb2: {  	[dreg:$0x4] =	wrdreg s18  }
0xb3: {  	[dreg:$0x5] =	wrdreg s24  }
0xb4: {  	[dreg:$0x6] =	wrdreg $0x0  }
0xb5: {  	[dreg:$0x7] =	wrdreg $0x140000  }
0xb6: {  	[dreg:$0x8] =	wrdreg $0x9  }
0xb7: {  	_ =	task.clear_ibuf [dreg:s9], $0x9FFFF;
	_ =	strace $0x90000046  }
0xb8: {  	s29 =	simm.s32 $0x9;
	_ =	strace $0x80000048  }
0xb9: {  	_ =	swait.ge [sflag:s29], $0x1  }
0xba: {  	[sflag:s29] =	ssyncadd.s32 $0xFFFFFFFF  }
0xbb: {  	_ =	strace $0x90000048  }
0xbc: {  	_ =	sfence  }
0xbd: {  	s30 =	sld [smem:$0x0];
	_ =	sdelay $0x2  }
0xbe: {  	s31 =	sshll.u32 s1, $0xD;
	s1 =	sshrl.u32 s1, $0x2  }
0xbf: {  	s3 =	sand.u32 $0x4000, s31;
	s1 =	sadd.s32 s1, s30  }
0xc0: {  	s0 =	sor.u32 s3, s0;
	s1 =	sshll.u32 s1, $0x11  }
0xc1: {  	s0 =	sor.u32 s1, s0  }
0xc2: {  	s0 =	sadd.s32 $0x8F2B, s0  }
0xc3: {  	[sflag:s0] =	ssyncadd.remote.s32 $0x1  }
0xc4: {  	_ =	sfence.sel $0xFFFF  }
0xc5: {  	[dreg:$0x0] =	wrdreg $0xFFFFFFFF;
	(pc) =	sbr.abs _section_cstart, $3  }
0xc6: {  	[dreg:$0x1] =	wrdreg $0xFFFFFFFF  }
0xc7: {  	_ =	task.clear_ibuf [dreg:s9], $0x2FFFF;
	_ =	strace $0x9FFFFFFF  }
0xc8: {  	(tm) =	ssettm $0x7FFFFFFF  }
0xc9: {  	_ =	shalt  }
tec
execute0_lowered:
.L_overlay_start_1:
0x0: {  	(tag) =	ssettag $0x1  }
0x1: {  	s0 =	rddreg [dreg:$0x0]  }
0x2: {  	s5 =	rddreg [dreg:$0x1]  }
0x3: {  	s6 =	rddreg [dreg:$0x2]  }
0x4: {  	s7 =	rddreg [dreg:$0x3]  }
0x5: {  	s1 =	rddreg [dreg:$0x4];
	s9 =	stileid.u32  }
0x6: {  	s2 =	rddreg [dreg:$0x5];
	s3 =	simm.s32 $0x0;
	s8 =	smul.u32 $0x2800, s9  }
0x7: {  	s10 =	srdreg.scid;
	s28 =	simm.s32 $0x50;
	s21 =	smul.u32 $0x50000, s9  }
0x8: {  	s29 =	simm.s32 $0x1AC00;
	s30 =	simm.s32 $0x18380;
	s11 =	smul.u32 $0x2710, s9  }
0x9: {  	[smem:$0x7FF] =	sst s3;
	s16 =	sadd.s32 $0x1000, s7;
	s12 =	smul.u32 $0x4E20, s9  }
0xa: {  	s4 =	sadd.s32 $0x6000, s7;
	s18 =	sand.u32 $0x1, s10;
	s17 =	smul.u32 $0x27100, s9  }
0xb: {  	s19 =	sadd.s32 $0x8800, s7;
	s24 =	sshll.u32 s9, $0x6;
	s26 =	smul.u32 $0x9C4, s9  }
0xc: {  	p0 =	sne.s32 s9, $0x0;
	p2 =	seq.s32 s9, $0x0;
	_ =	strace $0x80000047  }
0xd: {  	[dreg:$0x7] =	wrdreg s19;
	s20 =	ssub.s32 $0x2, s18;
	s19 =	smul.u32 $0x4E2, s9  }
0xe: {  	p1 =	sne.s32 s18, $0x0;
	s14 =	sadd.s32 s8, s7;
	s7 =	sadd.s32 $0x8E00, s7  }
0xf: {  	s22 =	sshrl.u32 s20, $0x1;
	s23 =	sshrl.u32 s21, $0x2;
	s8 =	sor.u32 $0x1C01, s24  }
0x10: {  	s25 =	sadd.s32 $0x2700, s11;
	s12 =	sadd.s32 $0x4E00, s12;
	s21 =	smul.u32 $0x4E200, s9  }
0x11: {  	s24 =	simm.s32 $0x80;
	[dreg:$0x8] =	wrdreg s7;
	s15 =	ssub.s32 s20, s22  }
0x12: {  	s7 =	sadd.s32 s23, s1;
	s11 =	sshll.u32 s25, $0x4;
	s10 =	sshrl.u32 s25, $0x3  }
0x13: {  	s13 =	sshll.u32 s12, $0x4;
	s20 =	sshrl.u32 s12, $0x3;
	s22 =	simm.s32 $0x14280  }
0x14: {  	s23 =	simm.s32 $0x18280;
	s25 =	simm.s32 $0x18300;
	s11 =	sadd.s32 s6, s11  }
.Ltmp0:
0x15: {  	s10 =	sadd.s32 s16, s10;
	s12 =	sadd.s32 s0, s13;
	(pc) =	sbr.rel .LBB2_1-.Ltmp0, $4  }
0x16: {  	s13 =	sadd.s32 s5, s20;
	s15 =	smax.u32 s15, $0x1;
	s6 =	sadd.s32 s17, s6  }
0x17: {  	v0 =	vlaneseq.u32;
	s17 =	sadd.s32 s19, s16;
	s31 =	sadd.s32 s21, s0;
	s19 =	sadd.s32 s26, s5  }
0x18: {  	v1 =	vor.u32 $0x10, v0;
	s20 =	simm.s32 $0x1;
	s21 =	simm.s32 $0x18400;
	s0 =	simm.s32 $0x0  }
0x19: {  	v2 =	vor.u32 $0x20, v0;
	v3 =	vor.u32 $0x30, v0;
	v4 =	vor.u32 $0x40, v0;
	[dreg:$0x9] =	wrdreg s11;
	s11 =	sadd.s32 $0x31400, s14;
	s14 =	sadd.s32 $0x9400, s14  }
.LBB2_6:
0x1a: {  	s9 =	sshrl.u32 s2, $0x3  }
0x1b: {  	[hbm:s5], [sflag:s8] =	dma.local [spmem:s9], $0x500  }
0x1c: {  	_ =	swait.ge [sflag:s20], $0x500  }
0x1d: {  	[sflag:s20] =	ssyncset.done $0x0  }
0x1e: {  	[sflag:s20] =	ssyncadd.s32 $0xFFFFFB00  }
.LBB2_7:
0x1f: {  	s0 =	sadd.s32 $0x1, s0  }
0x20: {  	p3 =	sne.s32 s0, s15  }
.Ltmp1:
0x21: {  	_ = 	snop;
	(pc) =	sbr.rel @!p3 .LBB2_8-.Ltmp1, $1  }
0x22: {  	_ =	sdelay $0x3  }
.LBB2_1:
0x23: {  	s26 =	sshrl.u32 s7, $0x3  }
0x24: {  	[spmem:s26], [sflag:s8] =	dma.local [hbm:s4], $0x2800  }
0x25: {  	_ =	swait.ge [sflag:s20], $0x2800  }
0x26: {  	[sflag:s20] =	ssyncset.done $0x0  }
0x27: {  	[sflag:s20] =	ssyncadd.s32 $0xFFFFD800  }
0x28: {  	[tilespmem:s21], [sflag:$0x1] =	stream.linear.gather [hbm4b:s4+s3], $0x2800, $0x38;
	[tilespmem:$0x1AC80] =	vst v63  }
0x29: {  	_ =	swait.ge [sflag:s20], $0x2800  }
0x2a: {  	[sflag:s20] =	ssyncset.done $0x0  }
0x2b: {  	s5 =	sshrl.u32 @!p0 s2, $0x3;
	[sflag:s20] =	ssyncadd.s32 $0xFFFFD800  }
0x2c: {  	[spmem:s5], [sflag:s8] =	dma.local @!p0 [hbm:s4], $0x500  }
0x2d: {  	s5 =	simm.s32 @!p0 $0x1  }
0x2e: {  	_ =	swait.ge @!p0 [sflag:s5], $0x500  }
0x2f: {  	[sflag:s5] =	ssyncset.done @!p0 $0x0  }
0x30: {  	[sflag:s5] =	ssyncadd.s32 @!p0 $0xFFFFFB00  }
0x31: {  	[tilespmem:$0x1AC00] =	vst v0  }
0x32: {  	[tilespmem:$0x1AC10] =	vst v1  }
.Ltmp2:
0x33: {  	[tilespmem:$0x1AC20] =	vst v2;
	(pc) =	sbr.rel @p1 .LBB2_4-.Ltmp2, $4  }
0x34: {  	[tilespmem:$0x1AC30] =	vst v3  }
0x35: {  	[tilespmem:$0x1AC40] =	vst v4  }
0x36: {  	s18 =	smov.u32 s31;
	[bflag:$0x0] =	sbarrier.arrive $0xFFFF  }
0x37: {  	s16 =	smov.u32 s6;
	s9 =	simm.s32 $0x0;
	s5 =	simm.s32 $0x0  }
.LBB2_2:
0x38: {  	[tilespmem:s22], [sflag:$0x1] =	stream.linear.gather [hbm4b:s18+s3], $0x4000, $0x38;
	[tilespmem:$0x1AC80] =	vst v63  }
0x39: {  	_ =	swait.ge [sflag:s20], $0x4000  }
0x3a: {  	[sflag:s20] =	ssyncset.done $0x0  }
0x3b: {  	s9 =	sadd.s32 s5, s19;
	[sflag:s20] =	ssyncadd.s32 $0xFFFFC000  }
0x3c: {  	[tilespmem:s23], [sflag:$0x1] =	stream.linear.gather [hbm4b:s9+s3], $0x80, $0x38;
	[tilespmem:$0x1AC80] =	vst v63  }
0x3d: {  	_ =	swait.ge [sflag:s20], $0x80  }
0x3e: {  	[sflag:s20] =	ssyncset.done $0x0  }
0x3f: {  	[sflag:s20] =	ssyncadd.s32 $0xFFFFFF80  }
0x40: {  	[spmem:s1] =	stream.indirect.scatter.add.f32 [tilespmem:s22], [sflag:$0x1], $0x80, s23, s24, $0xb8;
	[tilespmem:$0x1AC80] =	vst v63  }
0x41: {  	_ =	swait.ge [sflag:s20], $0x4000  }
0x42: {  	[sflag:s20] =	ssyncset.done $0x0  }
0x43: {  	[sflag:s20] =	ssyncadd.s32 $0xFFFFC000  }
0x44: {  	v5 =	vld [tilespmem:$0x18280];
	_ =	sdelay $0x4  }
0x45: {  	(xrf1) =	vunique.msk.u32 $0xffff, v5;
	_ =	sdelay $0xd  }
0x46: {  	_, v6, vm0 =	vpop (xrf1);
	_ =	sdelay $0x3  }
0x47: {  	v6 =	vcvt.s32.f32 v6;
	_ =	sdelay $0x1  }
0x48: {  	[tilespmem:v5+s21+$0x0] =	vst.idx.add.f32.msk vm0, v6  }
0x49: {  	v5 =	vld [tilespmem:$0x18290];
	_ =	sdelay $0x4  }
0x4a: {  	(xrf1) =	vunique.msk.u32 $0xffff, v5;
	_ =	sdelay $0xd  }
0x4b: {  	_, v6, vm0 =	vpop (xrf1);
	_ =	sdelay $0x3  }
0x4c: {  	v6 =	vcvt.s32.f32 v6;
	_ =	sdelay $0x1  }
0x4d: {  	[tilespmem:v5+s21+$0x0] =	vst.idx.add.f32.msk vm0, v6  }
0x4e: {  	v5 =	vld [tilespmem:$0x182A0];
	_ =	sdelay $0x4  }
0x4f: {  	(xrf1) =	vunique.msk.u32 $0xffff, v5;
	_ =	sdelay $0xd  }
0x50: {  	_, v6, vm0 =	vpop (xrf1);
	_ =	sdelay $0x3  }
0x51: {  	v6 =	vcvt.s32.f32 v6;
	_ =	sdelay $0x1  }
0x52: {  	[tilespmem:v5+s21+$0x0] =	vst.idx.add.f32.msk vm0, v6  }
0x53: {  	v5 =	vld [tilespmem:$0x182B0];
	_ =	sdelay $0x4  }
0x54: {  	(xrf1) =	vunique.msk.u32 $0xffff, v5;
	_ =	sdelay $0xd  }
0x55: {  	_, v6, vm0 =	vpop (xrf1);
	_ =	sdelay $0x3  }
0x56: {  	v6 =	vcvt.s32.f32 v6;
	_ =	sdelay $0x1  }
0x57: {  	[tilespmem:v5+s21+$0x0] =	vst.idx.add.f32.msk vm0, v6  }
0x58: {  	v5 =	vld [tilespmem:$0x182C0];
	_ =	sdelay $0x4  }
0x59: {  	(xrf1) =	vunique.msk.u32 $0xffff, v5;
	_ =	sdelay $0xd  }
0x5a: {  	_, v6, vm0 =	vpop (xrf1);
	_ =	sdelay $0x3  }
0x5b: {  	v6 =	vcvt.s32.f32 v6;
	_ =	sdelay $0x1  }
0x5c: {  	[tilespmem:v5+s21+$0x0] =	vst.idx.add.f32.msk vm0, v6  }
0x5d: {  	v5 =	vld [tilespmem:$0x182D0];
	_ =	sdelay $0x4  }
0x5e: {  	(xrf1) =	vunique.msk.u32 $0xffff, v5;
	_ =	sdelay $0xd  }
0x5f: {  	_, v6, vm0 =	vpop (xrf1);
	_ =	sdelay $0x3  }
0x60: {  	v6 =	vcvt.s32.f32 v6;
	_ =	sdelay $0x1  }
0x61: {  	[tilespmem:v5+s21+$0x0] =	vst.idx.add.f32.msk vm0, v6  }
0x62: {  	v5 =	vld [tilespmem:$0x182E0];
	_ =	sdelay $0x4  }
0x63: {  	(xrf1) =	vunique.msk.u32 $0xffff, v5;
	_ =	sdelay $0xd  }
0x64: {  	_, v6, vm0 =	vpop (xrf1);
	_ =	sdelay $0x3  }
0x65: {  	v6 =	vcvt.s32.f32 v6;
	_ =	sdelay $0x1  }
0x66: {  	[tilespmem:v5+s21+$0x0] =	vst.idx.add.f32.msk vm0, v6  }
0x67: {  	v5 =	vld [tilespmem:$0x182F0];
	_ =	sdelay $0x4  }
0x68: {  	(xrf1) =	vunique.msk.u32 $0xffff, v5;
	_ =	sdelay $0xd  }
0x69: {  	_, v6, vm0 =	vpop (xrf1)  }
0x6a: {  	p3 =	sne.s32 s5, $0x9B0  }
.Ltmp3:
0x6b: {  	_ = 	snop;
	(pc) =	sbr.rel @p3 .LBB2_2-.Ltmp3, $3  }
0x6c: {  	_ = 	snop  }
0x6d: {  	v6 =	vcvt.s32.f32 v6;
	_ =	sdelay $0x1  }
0x6e: {  	s18 =	sadd.s32 $0x800, s18;
	s5 =	sadd.s32 $0x10, s5;
	[tilespmem:v5+s21+$0x0] =	vst.idx.add.f32.msk vm0, v6  }
0x6f: {  	[tilespmem:s22], [sflag:$0x1] =	stream.linear.gather [hbm4b:s12+s3], $0x1000, $0x38;
	[tilespmem:$0x1AC80] =	vst v63  }
0x70: {  	_ =	swait.ge [sflag:s20], $0x1000  }
0x71: {  	[sflag:s20] =	ssyncset.done $0x0  }
0x72: {  	[sflag:s20] =	ssyncadd.s32 $0xFFFFF000  }
0x73: {  	[tilespmem:s25], [sflag:$0x1] =	stream.linear.gather [hbm4b:s13+s3], $0x20, $0x38;
	[tilespmem:$0x1AC80] =	vst v63  }
0x74: {  	_ =	swait.ge [sflag:s20], $0x20  }
0x75: {  	[sflag:s20] =	ssyncset.done $0x0  }
0x76: {  	s5 =	simm.s32 $0x20;
	[sflag:s20] =	ssyncadd.s32 $0xFFFFFFE0  }
0x77: {  	[spmem:s1] =	stream.indirect.scatter.add.f32 [tilespmem:s22], [sflag:$0x1], $0x80, s25, s5, $0xb8;
	[tilespmem:$0x1AC80] =	vst v63  }
0x78: {  	_ =	swait.ge [sflag:s20], $0x1000  }
0x79: {  	[sflag:s20] =	ssyncset.done $0x0  }
0x7a: {  	[sflag:s20] =	ssyncadd.s32 $0xFFFFF000  }
0x7b: {  	v5 =	vld [tilespmem:$0x18300];
	_ =	sdelay $0x4  }
0x7c: {  	(xrf1) =	vunique.msk.u32 $0xffff, v5;
	_ =	sdelay $0xd  }
0x7d: {  	_, v6, vm0 =	vpop (xrf1);
	_ =	sdelay $0x3  }
0x7e: {  	v6 =	vcvt.s32.f32 v6;
	_ =	sdelay $0x1  }
0x7f: {  	[tilespmem:v5+s21+$0x0] =	vst.idx.add.f32.msk vm0, v6  }
0x80: {  	v5 =	vld [tilespmem:$0x18310];
	_ =	sdelay $0x4  }
0x81: {  	(xrf1) =	vunique.msk.u32 $0xffff, v5;
	_ =	sdelay $0xd  }
0x82: {  	_, v6, vm0 =	vpop (xrf1);
	_ =	sdelay $0x3  }
0x83: {  	v6 =	vcvt.s32.f32 v6;
	_ =	sdelay $0x1  }
0x84: {  	[tilespmem:v5+s21+$0x0] =	vst.idx.add.f32.msk vm0, v6  }
0x85: {  	[spmem:s2] =	stream.indirect.scatter.add.f32 [tilespmem:s21], [sflag:$0x1], $0x80, s29, s28, $0xb8;
	[tilespmem:$0x1AC80] =	vst v63  }
0x86: {  	_ =	swait.ge [sflag:s20], $0x2800  }
0x87: {  	[sflag:s20] =	ssyncset.done $0x0  }
0x88: {  	[sflag:s20] =	ssyncadd.s32 $0xFFFFD800  }
0x89: {  	[bflag:$0x0] =	sbarrier.arrive $0xFFFF  }
0x8a: {  	[hbm:s14], [sflag:s8] =	dma.local [spmem:s26], $0x2800  }
.Ltmp4:
0x8b: {  	_ = 	snop;
	(pc) =	sbr.rel @!p2 .LBB2_7-.Ltmp4, $4  }
.Ltmp5:
0x8c: {  	_ = 	snop;
	(pc) =	sbr.rel @p2 .LBB2_6-.Ltmp5, $4  }
0x8d: {  	_ =	swait.ge [sflag:s20], $0x2800  }
0x8e: {  	[sflag:s20] =	ssyncset.done $0x0  }
0x8f: {  	s5 =	rddreg [dreg:$0x7];
	[sflag:s20] =	ssyncadd.s32 $0xFFFFD800  }
0x90: {  	_ = 	snop  }
.LBB2_4:
0x91: {  	[tilespmem:s22], [sflag:$0x1] =	stream.linear.gather [hbm4b:s16+s3], $0x4000, $0x38;
	[tilespmem:$0x1AC80] =	vst v63  }
0x92: {  	_ =	swait.ge [sflag:s20], $0x4000  }
0x93: {  	[sflag:s20] =	ssyncset.done $0x0  }
0x94: {  	s5 =	sadd.s32 s9, s17;
	[sflag:s20] =	ssyncadd.s32 $0xFFFFC000  }
0x95: {  	[tilespmem:s23], [sflag:$0x1] =	stream.linear.gather [hbm4b:s5+s3], $0x80, $0x38;
	[tilespmem:$0x1AC80] =	vst v63  }
0x96: {  	_ =	swait.ge [sflag:s20], $0x80  }
0x97: {  	[sflag:s20] =	ssyncset.done $0x0  }
0x98: {  	[sflag:s20] =	ssyncadd.s32 $0xFFFFFF80  }
0x99: {  	[spmem:s1] =	stream.indirect.scatter.add.f32 [tilespmem:s22], [sflag:$0x1], $0x80, s23, s24, $0xb8;
	[tilespmem:$0x1AC80] =	vst v63  }
0x9a: {  	_ =	swait.ge [sflag:s20], $0x4000  }
0x9b: {  	[sflag:s20] =	ssyncset.done $0x0  }
0x9c: {  	[sflag:s20] =	ssyncadd.s32 $0xFFFFC000  }
0x9d: {  	v5 =	vld [tilespmem:$0x18280];
	_ =	sdelay $0x4  }
0x9e: {  	(xrf1) =	vunique.msk.u32 $0xffff, v5;
	_ =	sdelay $0xd  }
0x9f: {  	_, v6, vm0 =	vpop (xrf1);
	_ =	sdelay $0x3  }
0xa0: {  	v6 =	vcvt.s32.f32 v6;
	_ =	sdelay $0x1  }
0xa1: {  	[tilespmem:v5+s21+$0x0] =	vst.idx.add.f32.msk vm0, v6  }
0xa2: {  	v5 =	vld [tilespmem:$0x18290];
	_ =	sdelay $0x4  }
0xa3: {  	(xrf1) =	vunique.msk.u32 $0xffff, v5;
	_ =	sdelay $0xd  }
0xa4: {  	_, v6, vm0 =	vpop (xrf1);
	_ =	sdelay $0x3  }
0xa5: {  	v6 =	vcvt.s32.f32 v6;
	_ =	sdelay $0x1  }
0xa6: {  	[tilespmem:v5+s21+$0x0] =	vst.idx.add.f32.msk vm0, v6  }
0xa7: {  	v5 =	vld [tilespmem:$0x182A0];
	_ =	sdelay $0x4  }
0xa8: {  	(xrf1) =	vunique.msk.u32 $0xffff, v5;
	_ =	sdelay $0xd  }
0xa9: {  	_, v6, vm0 =	vpop (xrf1);
	_ =	sdelay $0x3  }
0xaa: {  	v6 =	vcvt.s32.f32 v6;
	_ =	sdelay $0x1  }
0xab: {  	[tilespmem:v5+s21+$0x0] =	vst.idx.add.f32.msk vm0, v6  }
0xac: {  	v5 =	vld [tilespmem:$0x182B0];
	_ =	sdelay $0x4  }
0xad: {  	(xrf1) =	vunique.msk.u32 $0xffff, v5;
	_ =	sdelay $0xd  }
0xae: {  	_, v6, vm0 =	vpop (xrf1);
	_ =	sdelay $0x3  }
0xaf: {  	v6 =	vcvt.s32.f32 v6;
	_ =	sdelay $0x1  }
0xb0: {  	[tilespmem:v5+s21+$0x0] =	vst.idx.add.f32.msk vm0, v6  }
0xb1: {  	v5 =	vld [tilespmem:$0x182C0];
	_ =	sdelay $0x4  }
0xb2: {  	(xrf1) =	vunique.msk.u32 $0xffff, v5;
	_ =	sdelay $0xd  }
0xb3: {  	_, v6, vm0 =	vpop (xrf1);
	_ =	sdelay $0x3  }
0xb4: {  	v6 =	vcvt.s32.f32 v6;
	_ =	sdelay $0x1  }
0xb5: {  	[tilespmem:v5+s21+$0x0] =	vst.idx.add.f32.msk vm0, v6  }
0xb6: {  	v5 =	vld [tilespmem:$0x182D0];
	_ =	sdelay $0x4  }
0xb7: {  	(xrf1) =	vunique.msk.u32 $0xffff, v5;
	_ =	sdelay $0xd  }
0xb8: {  	_, v6, vm0 =	vpop (xrf1);
	_ =	sdelay $0x3  }
0xb9: {  	v6 =	vcvt.s32.f32 v6;
	_ =	sdelay $0x1  }
0xba: {  	[tilespmem:v5+s21+$0x0] =	vst.idx.add.f32.msk vm0, v6  }
0xbb: {  	v5 =	vld [tilespmem:$0x182E0];
	_ =	sdelay $0x4  }
0xbc: {  	(xrf1) =	vunique.msk.u32 $0xffff, v5;
	_ =	sdelay $0xd  }
0xbd: {  	_, v6, vm0 =	vpop (xrf1);
	_ =	sdelay $0x3  }
0xbe: {  	v6 =	vcvt.s32.f32 v6;
	_ =	sdelay $0x1  }
0xbf: {  	[tilespmem:v5+s21+$0x0] =	vst.idx.add.f32.msk vm0, v6  }
0xc0: {  	v5 =	vld [tilespmem:$0x182F0];
	_ =	sdelay $0x4  }
0xc1: {  	(xrf1) =	vunique.msk.u32 $0xffff, v5;
	_ =	sdelay $0xd  }
0xc2: {  	_, v6, vm0 =	vpop (xrf1)  }
0xc3: {  	p3 =	sne.s32 s9, $0x4D0  }
.Ltmp6:
0xc4: {  	_ = 	snop;
	(pc) =	sbr.rel @p3 .LBB2_4-.Ltmp6, $3  }
0xc5: {  	_ = 	snop  }
0xc6: {  	v6 =	vcvt.s32.f32 v6;
	_ =	sdelay $0x1  }
0xc7: {  	s16 =	sadd.s32 $0x800, s16;
	s9 =	sadd.s32 $0x10, s9;
	[tilespmem:v5+s21+$0x0] =	vst.idx.add.f32.msk vm0, v6  }
0xc8: {  	s5 =	rddreg [dreg:$0x9]  }
0xc9: {  	[tilespmem:s22], [sflag:$0x1] =	stream.linear.gather [hbm4b:s5+s3], $0x800, $0x38;
	[tilespmem:$0x1AC80] =	vst v63  }
0xca: {  	_ =	swait.ge [sflag:s20], $0x800  }
0xcb: {  	[sflag:s20] =	ssyncset.done $0x0  }
0xcc: {  	[sflag:s20] =	ssyncadd.s32 $0xFFFFF800  }
0xcd: {  	[tilespmem:s30], [sflag:$0x1] =	stream.linear.gather [hbm4b:s10+s3], $0x10, $0x38;
	[tilespmem:$0x1AC80] =	vst v63  }
0xce: {  	_ =	swait.ge [sflag:s20], $0x10  }
0xcf: {  	[sflag:s20] =	ssyncset.done $0x0  }
0xd0: {  	s18 =	simm.s32 $0x10;
	[sflag:s20] =	ssyncadd.s32 $0xFFFFFFF0  }
0xd1: {  	[spmem:s1] =	stream.indirect.scatter.add.f32 [tilespmem:s22], [sflag:$0x1], $0x80, s30, s18, $0xb8;
	[tilespmem:$0x1AC80] =	vst v63  }
0xd2: {  	_ =	swait.ge [sflag:s20], $0x800  }
0xd3: {  	[sflag:s20] =	ssyncset.done $0x0  }
0xd4: {  	[sflag:s20] =	ssyncadd.s32 $0xFFFFF800  }
0xd5: {  	v5 =	vld [tilespmem:$0x18380];
	_ =	sdelay $0x4  }
0xd6: {  	(xrf1) =	vunique.msk.u32 $0xffff, v5;
	_ =	sdelay $0xd  }
0xd7: {  	_, v6, vm0 =	vpop (xrf1);
	_ =	sdelay $0x3  }
0xd8: {  	v6 =	vcvt.s32.f32 v6;
	_ =	sdelay $0x1  }
0xd9: {  	[tilespmem:v5+s21+$0x0] =	vst.idx.add.f32.msk vm0, v6  }
0xda: {  	[spmem:s2] =	stream.indirect.scatter.add.f32 [tilespmem:s21], [sflag:$0x1], $0x80, s29, s28, $0xb8;
	[tilespmem:$0x1AC80] =	vst v63  }
0xdb: {  	_ =	swait.ge [sflag:s20], $0x2800  }
0xdc: {  	[sflag:s20] =	ssyncset.done $0x0  }
0xdd: {  	[sflag:s20] =	ssyncadd.s32 $0xFFFFD800  }
0xde: {  	[bflag:$0x0] =	sbarrier.arrive $0xFFFF  }
0xdf: {  	[hbm:s11], [sflag:s8] =	dma.local [spmem:s26], $0x2800  }
.Ltmp7:
0xe0: {  	_ = 	snop;
	(pc) =	sbr.rel @p0 .LBB2_7-.Ltmp7, $4  }
.Ltmp8:
0xe1: {  	_ = 	snop;
	(pc) =	sbr.rel @!p0 .LBB2_6-.Ltmp8, $4  }
0xe2: {  	_ =	swait.ge [sflag:s20], $0x2800  }
0xe3: {  	[sflag:s20] =	ssyncset.done $0x0  }
0xe4: {  	s5 =	rddreg [dreg:$0x8];
	[sflag:s20] =	ssyncadd.s32 $0xFFFFD800  }
0xe5: {  	_ = 	snop  }
.LBB2_8:
0xe6: {  	_ =	sfence.sel $0x180000  }
0xe7: {  	[bflag:$0x0] =	sbarrier.arrive $0xFFFF  }
0xe8: {  	_ =	strace $0x90000047  }
0xe9: {  	[bflag:$0x2] =	sbarrier.arrive $0xFFFF  }
0xea: {  	s0 =	rddreg [dreg:$0x6]  }
0xeb: {  	s0 =	sadd.s32 @!p0 $0x100000, s0  }
0xec: {  	[sflag:s0] =	ssyncadd.tile.s32 @!p0 $0x1;
	_ =	shalt  }
.Lfunc_end2:
_tile_overlayer_lowered:
.L_overlay_start_2:
0xed: {  	(tag) =	ssettag $0x2  }
0xee: {  	s0 =	rddreg [dreg:$0x0];
	s2 =	stileid.u32  }
0xef: {  	s1 =	rddreg [dreg:$0x1];
	p0 =	sne.s32 s2, $0x0  }
0xf0: {  	s3 =	rddreg [dreg:$0x2];
	[bflag:$0x3] =	sbarrier.arrive $0xFFFF;
	s2 =	simm.s32 @!p0 $0x1C01  }
0xf1: {  	[timem:s3], [sflag:s2] =	dma.local @!p0 [hbm:s0], s1  }
0xf2: {  	s0 =	simm.s32 @!p0 $0x1  }
0xf3: {  	_ =	swait.ge @!p0 [sflag:s0], s1  }
0xf4: {  	s1 =	ssub.s32 @!p0 $0x0, s1;
	[sflag:s0] =	ssyncset.done @!p0 $0x0  }
0xf5: {  	[sflag:s0] =	ssyncadd.s32 @!p0 s1  }
0xf6: {  	[bflag:$0x3] =	sbarrier.arrive $0xFFFF  }
0xf7: {  	_ =	shalt  }

</sc_bundles>
